<compile_context>
chip_gen: v7x
topology: tpu7x:2x2x1
jax: 0.10.2.dev20260603
libtpu: 0.0.44.dev20260713+nightly
codegen_flags: <defaults>
</compile_context>

<pallas_src>
import jax
import jax.numpy as jnp
from jax import lax
from jax.experimental import pallas as pl
from jax.experimental.pallas import tpu as pltpu
from jax.experimental.pallas import tpu_sc as plsc

_NUM_CORES = 2
_NUM_SUBCORES = 16
_NUM_WORKERS = _NUM_CORES * _NUM_SUBCORES
_CHUNK_ROWS = 24
_NBUF = 2


def _copy_body(table_hbm, out_hbm, bufs, ld_sems, st_sems):
    sid = lax.axis_index("s")
    wid = sid * _NUM_CORES + lax.axis_index("c")
    rows = table_hbm.shape[0] // _NUM_WORKERS
    base = wid * rows

    offs = []
    o = 0
    while o < rows:
        c = min(_CHUNK_ROWS, rows - o)
        offs.append((o, c))
        o += c
    nchunks = len(offs)

    def load(g, b):
        o, c = offs[g]
        return pltpu.async_copy(
            table_hbm.at[pl.ds(base + o, c), :],
            bufs.at[sid, b, pl.ds(0, c)],
            ld_sems.at[b],
        )

    def store(g, b):
        o, c = offs[g]
        return pltpu.async_copy(
            bufs.at[sid, b, pl.ds(0, c)],
            out_hbm.at[0, pl.ds(base + o, c), :],
            st_sems.at[b],
        )

    loads = {}
    stores = {}
    for g in range(min(_NBUF, nchunks)):
        loads[g] = load(g, g)
    for g in range(nchunks):
        b = g % _NBUF
        loads.pop(g).wait()
        stores[g] = store(g, b)
        j = g - 1
        if j >= 0 and j + _NBUF < nchunks:
            stores.pop(j).wait()
            loads[j + _NBUF] = load(j + _NBUF, j % _NBUF)
    for g in sorted(stores):
        stores.pop(g).wait()


@jax.jit
def kernel(x, pos_embedding):
    seq_len = x.shape[1]
    d_model = pos_embedding.shape[1]
    mesh = plsc.VectorSubcoreMesh(core_axis_name="c", subcore_axis_name="s")
    fn = pl.kernel(
        _copy_body,
        out_type=jax.ShapeDtypeStruct((1, seq_len, d_model), jnp.float32),
        mesh=mesh,
        scratch_types=[
            pltpu.VMEM_SHARED(
                (_NUM_SUBCORES, _NBUF, _CHUNK_ROWS, d_model), jnp.float32
            ),
            pltpu.SemaphoreType.DMA((_NBUF,)),
            pltpu.SemaphoreType.DMA((_NBUF,)),
        ],
    )
    return fn(pos_embedding[:seq_len])

# --- scband reference (transcript-rebuilt; emitter-appended) ---
"""Pipeline reference for scband-positional-encoding-21268678050516 (READ-ONLY COPY).

The authoritative reference and input builder live on the scoring server;
editing this copy changes nothing except your own understanding.
"""

import jax, jax.numpy as jnp
import numpy as np

MAX_SEQ_LEN = 8192
D_MODEL = 2048
INIT_STD = 0.02

def setup_inputs(seed: int = 0) -> dict:
    key = jax.random.key(seed)
    kx, kw = jax.random.split(key)
    x = jax.random.normal(kx, (4, 8192, D_MODEL), dtype=jnp.float32)
    pos_embedding = jax.random.normal(kw, (MAX_SEQ_LEN, D_MODEL), dtype=jnp.float32) * INIT_STD
    return {"x": x, "pos_embedding": pos_embedding}

def reference(x, pos_embedding):
    seq_len = x.shape[1]
    positions = jnp.arange(seq_len)[None, :]  # [1, S]
    pos_embed = jnp.take(pos_embedding, positions, axis=0)  # [1, S, d_model]
    return pos_embed

if __name__ == "__main__":
    import jax
    _d = setup_inputs()
    print(jax.jit(kernel)(*tuple(_d.values())))

</pallas_src>

<mosaic_0001>
#map = affine_map<(d0, d1) -> (0, 0)>
#map1 = affine_map<(d0, d1) -> (0, 0, 0)>
module attributes {stable_mosaic.version = 14 : i64} {
  func.func @_copy_body(%arg0: i32, %arg1: i32, %arg2: memref<8192x2048xf32, #tpu.memory_space<hbm>>, %arg3: memref<1x8192x2048xf32, #tpu.memory_space<hbm>>, %arg4: memref<16x2x24x2048xf32, #tpu.memory_space<vmem_shared>>, %arg5: memref<2x!tpu.dma_semaphore, #tpu.memory_space<semaphore_mem>>, %arg6: memref<2x!tpu.dma_semaphore, #tpu.memory_space<semaphore_mem>>) attributes {dimension_semantics = [#tpu.dimension_semantics<core_parallel>, #tpu.dimension_semantics<subcore_parallel>], iteration_bounds = array<i64: 2, 16>, scalar_prefetch = 0 : i64, scratch_operands = 3 : i64, tpu.core_type = #tpu.core_type<sc_vector_subcore>, window_params = [{transform_indices = #map}, {transform_indices = #map1}]} {
    %mul3A = arith.constant 2 : i32
    %mul3A_0 = arith.muli %arg1, %mul3A : i32
    %add3A = arith.addi %mul3A_0, %arg0 : i32
    %mul3A_1 = arith.constant 256 : i32
    %mul3A_2 = arith.muli %add3A, %mul3A_1 : i32
    %add3A_3 = arith.constant 0 : i32
    %add3A_4 = arith.addi %mul3A_2, %add3A_3 : i32
    %dma_start3A = arith.constant 0 : i32
    %dma_start3A_5 = arith.constant 0 : i32
    %dma_start3A_6 = tpu.memref_slice %arg5[%dma_start3A_5] : memref<2x!tpu.dma_semaphore, #tpu.memory_space<semaphore_mem>> -> memref<1x!tpu.dma_semaphore, #tpu.memory_space<semaphore_mem>>
    %dma_start3A_7 = tpu.memref_squeeze %dma_start3A_6 : memref<1x!tpu.dma_semaphore, #tpu.memory_space<semaphore_mem>> -> memref<!tpu.dma_semaphore, #tpu.memory_space<semaphore_mem>>
    %dma_start3A_8 = arith.constant 0 : i32
    %dma_start3A_9 = arith.constant 0 : i32
    %dma_start3A_10 = tpu.memref_slice %arg4[%arg1, %dma_start3A, %dma_start3A_8, %dma_start3A_9] : memref<16x2x24x2048xf32, #tpu.memory_space<vmem_shared>> -> memref<1x1x24x2048xf32, #tpu.memory_space<vmem_shared>>
    %dma_start3A_11 = tpu.memref_squeeze %dma_start3A_10 : memref<1x1x24x2048xf32, #tpu.memory_space<vmem_shared>> -> memref<24x2048xf32, #tpu.memory_space<vmem_shared>>
    %dma_start3A_12 = arith.constant 0 : i32
    %dma_start3A_13 = tpu.memref_slice %arg2[%add3A_4, %dma_start3A_12] : memref<8192x2048xf32, #tpu.memory_space<hbm>> -> memref<24x2048xf32, #tpu.memory_space<hbm>>
    tpu.enqueue_dma source(%dma_start3A_13 : memref<24x2048xf32, #tpu.memory_space<hbm>>) target(%dma_start3A_11 : memref<24x2048xf32, #tpu.memory_space<vmem_shared>>) target_semaphore(%dma_start3A_7 : memref<!tpu.dma_semaphore, #tpu.memory_space<semaphore_mem>>)
    %add3A_14 = arith.constant 24 : i32
    %add3A_15 = arith.addi %mul3A_2, %add3A_14 : i32
    %dma_start3A_16 = arith.constant 1 : i32
    %dma_start3A_17 = arith.constant 1 : i32
    %dma_start3A_18 = tpu.memref_slice %arg5[%dma_start3A_17] : memref<2x!tpu.dma_semaphore, #tpu.memory_space<semaphore_mem>> -> memref<1x!tpu.dma_semaphore, #tpu.memory_space<semaphore_mem>>
    %dma_start3A_19 = tpu.memref_squeeze %dma_start3A_18 : memref<1x!tpu.dma_semaphore, #tpu.memory_space<semaphore_mem>> -> memref<!tpu.dma_semaphore, #tpu.memory_space<semaphore_mem>>
    %dma_start3A_20 = arith.constant 0 : i32
    %dma_start3A_21 = arith.constant 0 : i32
    %dma_start3A_22 = tpu.memref_slice %arg4[%arg1, %dma_start3A_16, %dma_start3A_20, %dma_start3A_21] : memref<16x2x24x2048xf32, #tpu.memory_space<vmem_shared>> -> memref<1x1x24x2048xf32, #tpu.memory_space<vmem_shared>>
    %dma_start3A_23 = tpu.memref_squeeze %dma_start3A_22 : memref<1x1x24x2048xf32, #tpu.memory_space<vmem_shared>> -> memref<24x2048xf32, #tpu.memory_space<vmem_shared>>
    %dma_start3A_24 = arith.constant 0 : i32
    %dma_start3A_25 = tpu.memref_slice %arg2[%add3A_15, %dma_start3A_24] : memref<8192x2048xf32, #tpu.memory_space<hbm>> -> memref<24x2048xf32, #tpu.memory_space<hbm>>
    tpu.enqueue_dma source(%dma_start3A_25 : memref<24x2048xf32, #tpu.memory_space<hbm>>) target(%dma_start3A_23 : memref<24x2048xf32, #tpu.memory_space<vmem_shared>>) target_semaphore(%dma_start3A_19 : memref<!tpu.dma_semaphore, #tpu.memory_space<semaphore_mem>>)
    %dma_wait3A = arith.constant 0 : i32
    %dma_wait3A_26 = arith.constant 0 : i32
    %dma_wait3A_27 = tpu.memref_slice %arg5[%dma_wait3A_26] : memref<2x!tpu.dma_semaphore, #tpu.memory_space<semaphore_mem>> -> memref<1x!tpu.dma_semaphore, #tpu.memory_space<semaphore_mem>>
    %dma_wait3A_28 = tpu.memref_squeeze %dma_wait3A_27 : memref<1x!tpu.dma_semaphore, #tpu.memory_space<semaphore_mem>> -> memref<!tpu.dma_semaphore, #tpu.memory_space<semaphore_mem>>
    %dma_wait3A_29 = arith.constant 0 : i32
    %dma_wait3A_30 = arith.constant 0 : i32
    %dma_wait3A_31 = tpu.memref_slice %arg4[%arg1, %dma_wait3A, %dma_wait3A_29, %dma_wait3A_30] : memref<16x2x24x2048xf32, #tpu.memory_space<vmem_shared>> -> memref<1x1x24x2048xf32, #tpu.memory_space<vmem_shared>>
    %dma_wait3A_32 = tpu.memref_squeeze %dma_wait3A_31 : memref<1x1x24x2048xf32, #tpu.memory_space<vmem_shared>> -> memref<24x2048xf32, #tpu.memory_space<vmem_shared>>
    %dma_wait3A_33 = arith.constant 0 : i32
    %dma_wait3A_34 = tpu.memref_slice %arg2[%add3A_4, %dma_wait3A_33] : memref<8192x2048xf32, #tpu.memory_space<hbm>> -> memref<24x2048xf32, #tpu.memory_space<hbm>>
    tpu.wait_dma2 semaphore(%dma_wait3A_28 : memref<!tpu.dma_semaphore, #tpu.memory_space<semaphore_mem>>) src(%dma_wait3A_34 : memref<24x2048xf32, #tpu.memory_space<hbm>>) dst(%dma_wait3A_32 : memref<24x2048xf32, #tpu.memory_space<vmem_shared>>)
    %add3A_35 = arith.constant 0 : i32
    %add3A_36 = arith.addi %mul3A_2, %add3A_35 : i32
    %dma_start3A_37 = arith.constant 0 : i32
    %dma_start3A_38 = arith.constant 0 : i32
    %dma_start3A_39 = arith.constant 0 : i32
    %dma_start3A_40 = tpu.memref_slice %arg6[%dma_start3A_39] : memref<2x!tpu.dma_semaphore, #tpu.memory_space<semaphore_mem>> -> memref<1x!tpu.dma_semaphore, #tpu.memory_space<semaphore_mem>>
    %dma_start3A_41 = tpu.memref_squeeze %dma_start3A_40 : memref<1x!tpu.dma_semaphore, #tpu.memory_space<semaphore_mem>> -> memref<!tpu.dma_semaphore, #tpu.memory_space<semaphore_mem>>
    %dma_start3A_42 = arith.constant 0 : i32
    %dma_start3A_43 = tpu.memref_slice %arg3[%dma_start3A_38, %add3A_36, %dma_start3A_42] : memref<1x8192x2048xf32, #tpu.memory_space<hbm>> -> memref<1x24x2048xf32, #tpu.memory_space<hbm>>
    %dma_start3A_44 = tpu.memref_squeeze %dma_start3A_43 : memref<1x24x2048xf32, #tpu.memory_space<hbm>> -> memref<24x2048xf32, #tpu.memory_space<hbm>>
    %dma_start3A_45 = arith.constant 0 : i32
    %dma_start3A_46 = arith.constant 0 : i32
    %dma_start3A_47 = tpu.memref_slice %arg4[%arg1, %dma_start3A_37, %dma_start3A_45, %dma_start3A_46] : memref<16x2x24x2048xf32, #tpu.memory_space<vmem_shared>> -> memref<1x1x24x2048xf32, #tpu.memory_space<vmem_shared>>
    %dma_start3A_48 = tpu.memref_squeeze %dma_start3A_47 : memref<1x1x24x2048xf32, #tpu.memory_space<vmem_shared>> -> memref<24x2048xf32, #tpu.memory_space<vmem_shared>>
    tpu.enqueue_dma source(%dma_start3A_48 : memref<24x2048xf32, #tpu.memory_space<vmem_shared>>) target(%dma_start3A_44 : memref<24x2048xf32, #tpu.memory_space<hbm>>) target_semaphore(%dma_start3A_41 : memref<!tpu.dma_semaphore, #tpu.memory_space<semaphore_mem>>)
    %dma_wait3A_49 = arith.constant 1 : i32
    %dma_wait3A_50 = arith.constant 1 : i32
    %dma_wait3A_51 = tpu.memref_slice %arg5[%dma_wait3A_50] : memref<2x!tpu.dma_semaphore, #tpu.memory_space<semaphore_mem>> -> memref<1x!tpu.dma_semaphore, #tpu.memory_space<semaphore_mem>>
    %dma_wait3A_52 = tpu.memref_squeeze %dma_wait3A_51 : memref<1x!tpu.dma_semaphore, #tpu.memory_space<semaphore_mem>> -> memref<!tpu.dma_semaphore, #tpu.memory_space<semaphore_mem>>
    %dma_wait3A_53 = arith.constant 0 : i32
    %dma_wait3A_54 = arith.constant 0 : i32
    %dma_wait3A_55 = tpu.memref_slice %arg4[%arg1, %dma_wait3A_49, %dma_wait3A_53, %dma_wait3A_54] : memref<16x2x24x2048xf32, #tpu.memory_space<vmem_shared>> -> memref<1x1x24x2048xf32, #tpu.memory_space<vmem_shared>>
    %dma_wait3A_56 = tpu.memref_squeeze %dma_wait3A_55 : memref<1x1x24x2048xf32, #tpu.memory_space<vmem_shared>> -> memref<24x2048xf32, #tpu.memory_space<vmem_shared>>
    %dma_wait3A_57 = arith.constant 0 : i32
    %dma_wait3A_58 = tpu.memref_slice %arg2[%add3A_15, %dma_wait3A_57] : memref<8192x2048xf32, #tpu.memory_space<hbm>> -> memref<24x2048xf32, #tpu.memory_space<hbm>>
    tpu.wait_dma2 semaphore(%dma_wait3A_52 : memref<!tpu.dma_semaphore, #tpu.memory_space<semaphore_mem>>) src(%dma_wait3A_58 : memref<24x2048xf32, #tpu.memory_space<hbm>>) dst(%dma_wait3A_56 : memref<24x2048xf32, #tpu.memory_space<vmem_shared>>)
    %add3A_59 = arith.constant 24 : i32
    %add3A_60 = arith.addi %mul3A_2, %add3A_59 : i32
    %dma_start3A_61 = arith.constant 1 : i32
    %dma_start3A_62 = arith.constant 0 : i32
    %dma_start3A_63 = arith.constant 1 : i32
    %dma_start3A_64 = tpu.memref_slice %arg6[%dma_start3A_63] : memref<2x!tpu.dma_semaphore, #tpu.memory_space<semaphore_mem>> -> memref<1x!tpu.dma_semaphore, #tpu.memory_space<semaphore_mem>>
    %dma_start3A_65 = tpu.memref_squeeze %dma_start3A_64 : memref<1x!tpu.dma_semaphore, #tpu.memory_space<semaphore_mem>> -> memref<!tpu.dma_semaphore, #tpu.memory_space<semaphore_mem>>
    %dma_start3A_66 = arith.constant 0 : i32
    %dma_start3A_67 = tpu.memref_slice %arg3[%dma_start3A_62, %add3A_60, %dma_start3A_66] : memref<1x8192x2048xf32, #tpu.memory_space<hbm>> -> memref<1x24x2048xf32, #tpu.memory_space<hbm>>
    %dma_start3A_68 = tpu.memref_squeeze %dma_start3A_67 : memref<1x24x2048xf32, #tpu.memory_space<hbm>> -> memref<24x2048xf32, #tpu.memory_space<hbm>>
    %dma_start3A_69 = arith.constant 0 : i32
    %dma_start3A_70 = arith.constant 0 : i32
    %dma_start3A_71 = tpu.memref_slice %arg4[%arg1, %dma_start3A_61, %dma_start3A_69, %dma_start3A_70] : memref<16x2x24x2048xf32, #tpu.memory_space<vmem_shared>> -> memref<1x1x24x2048xf32, #tpu.memory_space<vmem_shared>>
    %dma_start3A_72 = tpu.memref_squeeze %dma_start3A_71 : memref<1x1x24x2048xf32, #tpu.memory_space<vmem_shared>> -> memref<24x2048xf32, #tpu.memory_space<vmem_shared>>
    tpu.enqueue_dma source(%dma_start3A_72 : memref<24x2048xf32, #tpu.memory_space<vmem_shared>>) target(%dma_start3A_68 : memref<24x2048xf32, #tpu.memory_space<hbm>>) target_semaphore(%dma_start3A_65 : memref<!tpu.dma_semaphore, #tpu.memory_space<semaphore_mem>>)
    %dma_wait3A_73 = arith.constant 0 : i32
    %dma_wait3A_74 = arith.constant 0 : i32
    %dma_wait3A_75 = arith.constant 0 : i32
    %dma_wait3A_76 = tpu.memref_slice %arg6[%dma_wait3A_75] : memref<2x!tpu.dma_semaphore, #tpu.memory_space<semaphore_mem>> -> memref<1x!tpu.dma_semaphore, #tpu.memory_space<semaphore_mem>>
    %dma_wait3A_77 = tpu.memref_squeeze %dma_wait3A_76 : memref<1x!tpu.dma_semaphore, #tpu.memory_space<semaphore_mem>> -> memref<!tpu.dma_semaphore, #tpu.memory_space<semaphore_mem>>
    %dma_wait3A_78 = arith.constant 0 : i32
    %dma_wait3A_79 = tpu.memref_slice %arg3[%dma_wait3A_74, %add3A_36, %dma_wait3A_78] : memref<1x8192x2048xf32, #tpu.memory_space<hbm>> -> memref<1x24x2048xf32, #tpu.memory_space<hbm>>
    %dma_wait3A_80 = tpu.memref_squeeze %dma_wait3A_79 : memref<1x24x2048xf32, #tpu.memory_space<hbm>> -> memref<24x2048xf32, #tpu.memory_space<hbm>>
    %dma_wait3A_81 = arith.constant 0 : i32
    %dma_wait3A_82 = arith.constant 0 : i32
    %dma_wait3A_83 = tpu.memref_slice %arg4[%arg1, %dma_wait3A_73, %dma_wait3A_81, %dma_wait3A_82] : memref<16x2x24x2048xf32, #tpu.memory_space<vmem_shared>> -> memref<1x1x24x2048xf32, #tpu.memory_space<vmem_shared>>
    %dma_wait3A_84 = tpu.memref_squeeze %dma_wait3A_83 : memref<1x1x24x2048xf32, #tpu.memory_space<vmem_shared>> -> memref<24x2048xf32, #tpu.memory_space<vmem_shared>>
    tpu.wait_dma2 semaphore(%dma_wait3A_77 : memref<!tpu.dma_semaphore, #tpu.memory_space<semaphore_mem>>) src(%dma_wait3A_84 : memref<24x2048xf32, #tpu.memory_space<vmem_shared>>) dst(%dma_wait3A_80 : memref<24x2048xf32, #tpu.memory_space<hbm>>)
    %add3A_85 = arith.constant 48 : i32
    %add3A_86 = arith.addi %mul3A_2, %add3A_85 : i32
    %dma_start3A_87 = arith.constant 0 : i32
    %dma_start3A_88 = arith.constant 0 : i32
    %dma_start3A_89 = tpu.memref_slice %arg5[%dma_start3A_88] : memref<2x!tpu.dma_semaphore, #tpu.memory_space<semaphore_mem>> -> memref<1x!tpu.dma_semaphore, #tpu.memory_space<semaphore_mem>>
    %dma_start3A_90 = tpu.memref_squeeze %dma_start3A_89 : memref<1x!tpu.dma_semaphore, #tpu.memory_space<semaphore_mem>> -> memref<!tpu.dma_semaphore, #tpu.memory_space<semaphore_mem>>
    %dma_start3A_91 = arith.constant 0 : i32
    %dma_start3A_92 = arith.constant 0 : i32
    %dma_start3A_93 = tpu.memref_slice %arg4[%arg1, %dma_start3A_87, %dma_start3A_91, %dma_start3A_92] : memref<16x2x24x2048xf32, #tpu.memory_space<vmem_shared>> -> memref<1x1x24x2048xf32, #tpu.memory_space<vmem_shared>>
    %dma_start3A_94 = tpu.memref_squeeze %dma_start3A_93 : memref<1x1x24x2048xf32, #tpu.memory_space<vmem_shared>> -> memref<24x2048xf32, #tpu.memory_space<vmem_shared>>
    %dma_start3A_95 = arith.constant 0 : i32
    %dma_start3A_96 = tpu.memref_slice %arg2[%add3A_86, %dma_start3A_95] : memref<8192x2048xf32, #tpu.memory_space<hbm>> -> memref<24x2048xf32, #tpu.memory_space<hbm>>
    tpu.enqueue_dma source(%dma_start3A_96 : memref<24x2048xf32, #tpu.memory_space<hbm>>) target(%dma_start3A_94 : memref<24x2048xf32, #tpu.memory_space<vmem_shared>>) target_semaphore(%dma_start3A_90 : memref<!tpu.dma_semaphore, #tpu.memory_space<semaphore_mem>>)
    %dma_wait3A_97 = arith.constant 0 : i32
    %dma_wait3A_98 = arith.constant 0 : i32
    %dma_wait3A_99 = tpu.memref_slice %arg5[%dma_wait3A_98] : memref<2x!tpu.dma_semaphore, #tpu.memory_space<semaphore_mem>> -> memref<1x!tpu.dma_semaphore, #tpu.memory_space<semaphore_mem>>
    %dma_wait3A_100 = tpu.memref_squeeze %dma_wait3A_99 : memref<1x!tpu.dma_semaphore, #tpu.memory_space<semaphore_mem>> -> memref<!tpu.dma_semaphore, #tpu.memory_space<semaphore_mem>>
    %dma_wait3A_101 = arith.constant 0 : i32
    %dma_wait3A_102 = arith.constant 0 : i32
    %dma_wait3A_103 = tpu.memref_slice %arg4[%arg1, %dma_wait3A_97, %dma_wait3A_101, %dma_wait3A_102] : memref<16x2x24x2048xf32, #tpu.memory_space<vmem_shared>> -> memref<1x1x24x2048xf32, #tpu.memory_space<vmem_shared>>
    %dma_wait3A_104 = tpu.memref_squeeze %dma_wait3A_103 : memref<1x1x24x2048xf32, #tpu.memory_space<vmem_shared>> -> memref<24x2048xf32, #tpu.memory_space<vmem_shared>>
    %dma_wait3A_105 = arith.constant 0 : i32
    %dma_wait3A_106 = tpu.memref_slice %arg2[%add3A_86, %dma_wait3A_105] : memref<8192x2048xf32, #tpu.memory_space<hbm>> -> memref<24x2048xf32, #tpu.memory_space<hbm>>
    tpu.wait_dma2 semaphore(%dma_wait3A_100 : memref<!tpu.dma_semaphore, #tpu.memory_space<semaphore_mem>>) src(%dma_wait3A_106 : memref<24x2048xf32, #tpu.memory_space<hbm>>) dst(%dma_wait3A_104 : memref<24x2048xf32, #tpu.memory_space<vmem_shared>>)
    %add3A_107 = arith.constant 48 : i32
    %add3A_108 = arith.addi %mul3A_2, %add3A_107 : i32
    %dma_start3A_109 = arith.constant 0 : i32
    %dma_start3A_110 = arith.constant 0 : i32
    %dma_start3A_111 = arith.constant 0 : i32
    %dma_start3A_112 = tpu.memref_slice %arg6[%dma_start3A_111] : memref<2x!tpu.dma_semaphore, #tpu.memory_space<semaphore_mem>> -> memref<1x!tpu.dma_semaphore, #tpu.memory_space<semaphore_mem>>
    %dma_start3A_113 = tpu.memref_squeeze %dma_start3A_112 : memref<1x!tpu.dma_semaphore, #tpu.memory_space<semaphore_mem>> -> memref<!tpu.dma_semaphore, #tpu.memory_space<semaphore_mem>>
    %dma_start3A_114 = arith.constant 0 : i32
    %dma_start3A_115 = tpu.memref_slice %arg3[%dma_start3A_110, %add3A_108, %dma_start3A_114] : memref<1x8192x2048xf32, #tpu.memory_space<hbm>> -> memref<1x24x2048xf32, #tpu.memory_space<hbm>>
    %dma_start3A_116 = tpu.memref_squeeze %dma_start3A_115 : memref<1x24x2048xf32, #tpu.memory_space<hbm>> -> memref<24x2048xf32, #tpu.memory_space<hbm>>
    %dma_start3A_117 = arith.constant 0 : i32
    %dma_start3A_118 = arith.constant 0 : i32
    %dma_start3A_119 = tpu.memref_slice %arg4[%arg1, %dma_start3A_109, %dma_start3A_117, %dma_start3A_118] : memref<16x2x24x2048xf32, #tpu.memory_space<vmem_shared>> -> memref<1x1x24x2048xf32, #tpu.memory_space<vmem_shared>>
    %dma_start3A_120 = tpu.memref_squeeze %dma_start3A_119 : memref<1x1x24x2048xf32, #tpu.memory_space<vmem_shared>> -> memref<24x2048xf32, #tpu.memory_space<vmem_shared>>
    tpu.enqueue_dma source(%dma_start3A_120 : memref<24x2048xf32, #tpu.memory_space<vmem_shared>>) target(%dma_start3A_116 : memref<24x2048xf32, #tpu.memory_space<hbm>>) target_semaphore(%dma_start3A_113 : memref<!tpu.dma_semaphore, #tpu.memory_space<semaphore_mem>>)
    %dma_wait3A_121 = arith.constant 1 : i32
    %dma_wait3A_122 = arith.constant 0 : i32
    %dma_wait3A_123 = arith.constant 1 : i32
    %dma_wait3A_124 = tpu.memref_slice %arg6[%dma_wait3A_123] : memref<2x!tpu.dma_semaphore, #tpu.memory_space<semaphore_mem>> -> memref<1x!tpu.dma_semaphore, #tpu.memory_space<semaphore_mem>>
    %dma_wait3A_125 = tpu.memref_squeeze %dma_wait3A_124 : memref<1x!tpu.dma_semaphore, #tpu.memory_space<semaphore_mem>> -> memref<!tpu.dma_semaphore, #tpu.memory_space<semaphore_mem>>
    %dma_wait3A_126 = arith.constant 0 : i32
    %dma_wait3A_127 = tpu.memref_slice %arg3[%dma_wait3A_122, %add3A_60, %dma_wait3A_126] : memref<1x8192x2048xf32, #tpu.memory_space<hbm>> -> memref<1x24x2048xf32, #tpu.memory_space<hbm>>
    %dma_wait3A_128 = tpu.memref_squeeze %dma_wait3A_127 : memref<1x24x2048xf32, #tpu.memory_space<hbm>> -> memref<24x2048xf32, #tpu.memory_space<hbm>>
    %dma_wait3A_129 = arith.constant 0 : i32
    %dma_wait3A_130 = arith.constant 0 : i32
    %dma_wait3A_131 = tpu.memref_slice %arg4[%arg1, %dma_wait3A_121, %dma_wait3A_129, %dma_wait3A_130] : memref<16x2x24x2048xf32, #tpu.memory_space<vmem_shared>> -> memref<1x1x24x2048xf32, #tpu.memory_space<vmem_shared>>
    %dma_wait3A_132 = tpu.memref_squeeze %dma_wait3A_131 : memref<1x1x24x2048xf32, #tpu.memory_space<vmem_shared>> -> memref<24x2048xf32, #tpu.memory_space<vmem_shared>>
    tpu.wait_dma2 semaphore(%dma_wait3A_125 : memref<!tpu.dma_semaphore, #tpu.memory_space<semaphore_mem>>) src(%dma_wait3A_132 : memref<24x2048xf32, #tpu.memory_space<vmem_shared>>) dst(%dma_wait3A_128 : memref<24x2048xf32, #tpu.memory_space<hbm>>)
    %add3A_133 = arith.constant 72 : i32
    %add3A_134 = arith.addi %mul3A_2, %add3A_133 : i32
    %dma_start3A_135 = arith.constant 1 : i32
    %dma_start3A_136 = arith.constant 1 : i32
    %dma_start3A_137 = tpu.memref_slice %arg5[%dma_start3A_136] : memref<2x!tpu.dma_semaphore, #tpu.memory_space<semaphore_mem>> -> memref<1x!tpu.dma_semaphore, #tpu.memory_space<semaphore_mem>>
    %dma_start3A_138 = tpu.memref_squeeze %dma_start3A_137 : memref<1x!tpu.dma_semaphore, #tpu.memory_space<semaphore_mem>> -> memref<!tpu.dma_semaphore, #tpu.memory_space<semaphore_mem>>
    %dma_start3A_139 = arith.constant 0 : i32
    %dma_start3A_140 = arith.constant 0 : i32
    %dma_start3A_141 = tpu.memref_slice %arg4[%arg1, %dma_start3A_135, %dma_start3A_139, %dma_start3A_140] : memref<16x2x24x2048xf32, #tpu.memory_space<vmem_shared>> -> memref<1x1x24x2048xf32, #tpu.memory_space<vmem_shared>>
    %dma_start3A_142 = tpu.memref_squeeze %dma_start3A_141 : memref<1x1x24x2048xf32, #tpu.memory_space<vmem_shared>> -> memref<24x2048xf32, #tpu.memory_space<vmem_shared>>
    %dma_start3A_143 = arith.constant 0 : i32
    %dma_start3A_144 = tpu.memref_slice %arg2[%add3A_134, %dma_start3A_143] : memref<8192x2048xf32, #tpu.memory_space<hbm>> -> memref<24x2048xf32, #tpu.memory_space<hbm>>
    tpu.enqueue_dma source(%dma_start3A_144 : memref<24x2048xf32, #tpu.memory_space<hbm>>) target(%dma_start3A_142 : memref<24x2048xf32, #tpu.memory_space<vmem_shared>>) target_semaphore(%dma_start3A_138 : memref<!tpu.dma_semaphore, #tpu.memory_space<semaphore_mem>>)
    %dma_wait3A_145 = arith.constant 1 : i32
    %dma_wait3A_146 = arith.constant 1 : i32
    %dma_wait3A_147 = tpu.memref_slice %arg5[%dma_wait3A_146] : memref<2x!tpu.dma_semaphore, #tpu.memory_space<semaphore_mem>> -> memref<1x!tpu.dma_semaphore, #tpu.memory_space<semaphore_mem>>
    %dma_wait3A_148 = tpu.memref_squeeze %dma_wait3A_147 : memref<1x!tpu.dma_semaphore, #tpu.memory_space<semaphore_mem>> -> memref<!tpu.dma_semaphore, #tpu.memory_space<semaphore_mem>>
    %dma_wait3A_149 = arith.constant 0 : i32
    %dma_wait3A_150 = arith.constant 0 : i32
    %dma_wait3A_151 = tpu.memref_slice %arg4[%arg1, %dma_wait3A_145, %dma_wait3A_149, %dma_wait3A_150] : memref<16x2x24x2048xf32, #tpu.memory_space<vmem_shared>> -> memref<1x1x24x2048xf32, #tpu.memory_space<vmem_shared>>
    %dma_wait3A_152 = tpu.memref_squeeze %dma_wait3A_151 : memref<1x1x24x2048xf32, #tpu.memory_space<vmem_shared>> -> memref<24x2048xf32, #tpu.memory_space<vmem_shared>>
    %dma_wait3A_153 = arith.constant 0 : i32
    %dma_wait3A_154 = tpu.memref_slice %arg2[%add3A_134, %dma_wait3A_153] : memref<8192x2048xf32, #tpu.memory_space<hbm>> -> memref<24x2048xf32, #tpu.memory_space<hbm>>
    tpu.wait_dma2 semaphore(%dma_wait3A_148 : memref<!tpu.dma_semaphore, #tpu.memory_space<semaphore_mem>>) src(%dma_wait3A_154 : memref<24x2048xf32, #tpu.memory_space<hbm>>) dst(%dma_wait3A_152 : memref<24x2048xf32, #tpu.memory_space<vmem_shared>>)
    %add3A_155 = arith.constant 72 : i32
    %add3A_156 = arith.addi %mul3A_2, %add3A_155 : i32
    %dma_start3A_157 = arith.constant 1 : i32
    %dma_start3A_158 = arith.constant 0 : i32
    %dma_start3A_159 = arith.constant 1 : i32
    %dma_start3A_160 = tpu.memref_slice %arg6[%dma_start3A_159] : memref<2x!tpu.dma_semaphore, #tpu.memory_space<semaphore_mem>> -> memref<1x!tpu.dma_semaphore, #tpu.memory_space<semaphore_mem>>
    %dma_start3A_161 = tpu.memref_squeeze %dma_start3A_160 : memref<1x!tpu.dma_semaphore, #tpu.memory_space<semaphore_mem>> -> memref<!tpu.dma_semaphore, #tpu.memory_space<semaphore_mem>>
    %dma_start3A_162 = arith.constant 0 : i32
    %dma_start3A_163 = tpu.memref_slice %arg3[%dma_start3A_158, %add3A_156, %dma_start3A_162] : memref<1x8192x2048xf32, #tpu.memory_space<hbm>> -> memref<1x24x2048xf32, #tpu.memory_space<hbm>>
    %dma_start3A_164 = tpu.memref_squeeze %dma_start3A_163 : memref<1x24x2048xf32, #tpu.memory_space<hbm>> -> memref<24x2048xf32, #tpu.memory_space<hbm>>
    %dma_start3A_165 = arith.constant 0 : i32
    %dma_start3A_166 = arith.constant 0 : i32
    %dma_start3A_167 = tpu.memref_slice %arg4[%arg1, %dma_start3A_157, %dma_start3A_165, %dma_start3A_166] : memref<16x2x24x2048xf32, #tpu.memory_space<vmem_shared>> -> memref<1x1x24x2048xf32, #tpu.memory_space<vmem_shared>>
    %dma_start3A_168 = tpu.memref_squeeze %dma_start3A_167 : memref<1x1x24x2048xf32, #tpu.memory_space<vmem_shared>> -> memref<24x2048xf32, #tpu.memory_space<vmem_shared>>
    tpu.enqueue_dma source(%dma_start3A_168 : memref<24x2048xf32, #tpu.memory_space<vmem_shared>>) target(%dma_start3A_164 : memref<24x2048xf32, #tpu.memory_space<hbm>>) target_semaphore(%dma_start3A_161 : memref<!tpu.dma_semaphore, #tpu.memory_space<semaphore_mem>>)
    %dma_wait3A_169 = arith.constant 0 : i32
    %dma_wait3A_170 = arith.constant 0 : i32
    %dma_wait3A_171 = arith.constant 0 : i32
    %dma_wait3A_172 = tpu.memref_slice %arg6[%dma_wait3A_171] : memref<2x!tpu.dma_semaphore, #tpu.memory_space<semaphore_mem>> -> memref<1x!tpu.dma_semaphore, #tpu.memory_space<semaphore_mem>>
    %dma_wait3A_173 = tpu.memref_squeeze %dma_wait3A_172 : memref<1x!tpu.dma_semaphore, #tpu.memory_space<semaphore_mem>> -> memref<!tpu.dma_semaphore, #tpu.memory_space<semaphore_mem>>
    %dma_wait3A_174 = arith.constant 0 : i32
    %dma_wait3A_175 = tpu.memref_slice %arg3[%dma_wait3A_170, %add3A_108, %dma_wait3A_174] : memref<1x8192x2048xf32, #tpu.memory_space<hbm>> -> memref<1x24x2048xf32, #tpu.memory_space<hbm>>
    %dma_wait3A_176 = tpu.memref_squeeze %dma_wait3A_175 : memref<1x24x2048xf32, #tpu.memory_space<hbm>> -> memref<24x2048xf32, #tpu.memory_space<hbm>>
    %dma_wait3A_177 = arith.constant 0 : i32
    %dma_wait3A_178 = arith.constant 0 : i32
    %dma_wait3A_179 = tpu.memref_slice %arg4[%arg1, %dma_wait3A_169, %dma_wait3A_177, %dma_wait3A_178] : memref<16x2x24x2048xf32, #tpu.memory_space<vmem_shared>> -> memref<1x1x24x2048xf32, #tpu.memory_space<vmem_shared>>
    %dma_wait3A_180 = tpu.memref_squeeze %dma_wait3A_179 : memref<1x1x24x2048xf32, #tpu.memory_space<vmem_shared>> -> memref<24x2048xf32, #tpu.memory_space<vmem_shared>>
    tpu.wait_dma2 semaphore(%dma_wait3A_173 : memref<!tpu.dma_semaphore, #tpu.memory_space<semaphore_mem>>) src(%dma_wait3A_180 : memref<24x2048xf32, #tpu.memory_space<vmem_shared>>) dst(%dma_wait3A_176 : memref<24x2048xf32, #tpu.memory_space<hbm>>)
    %add3A_181 = arith.constant 96 : i32
    %add3A_182 = arith.addi %mul3A_2, %add3A_181 : i32
    %dma_start3A_183 = arith.constant 0 : i32
    %dma_start3A_184 = arith.constant 0 : i32
    %dma_start3A_185 = tpu.memref_slice %arg5[%dma_start3A_184] : memref<2x!tpu.dma_semaphore, #tpu.memory_space<semaphore_mem>> -> memref<1x!tpu.dma_semaphore, #tpu.memory_space<semaphore_mem>>
    %dma_start3A_186 = tpu.memref_squeeze %dma_start3A_185 : memref<1x!tpu.dma_semaphore, #tpu.memory_space<semaphore_mem>> -> memref<!tpu.dma_semaphore, #tpu.memory_space<semaphore_mem>>
    %dma_start3A_187 = arith.constant 0 : i32
    %dma_start3A_188 = arith.constant 0 : i32
    %dma_start3A_189 = tpu.memref_slice %arg4[%arg1, %dma_start3A_183, %dma_start3A_187, %dma_start3A_188] : memref<16x2x24x2048xf32, #tpu.memory_space<vmem_shared>> -> memref<1x1x24x2048xf32, #tpu.memory_space<vmem_shared>>
    %dma_start3A_190 = tpu.memref_squeeze %dma_start3A_189 : memref<1x1x24x2048xf32, #tpu.memory_space<vmem_shared>> -> memref<24x2048xf32, #tpu.memory_space<vmem_shared>>
    %dma_start3A_191 = arith.constant 0 : i32
    %dma_start3A_192 = tpu.memref_slice %arg2[%add3A_182, %dma_start3A_191] : memref<8192x2048xf32, #tpu.memory_space<hbm>> -> memref<24x2048xf32, #tpu.memory_space<hbm>>
    tpu.enqueue_dma source(%dma_start3A_192 : memref<24x2048xf32, #tpu.memory_space<hbm>>) target(%dma_start3A_190 : memref<24x2048xf32, #tpu.memory_space<vmem_shared>>) target_semaphore(%dma_start3A_186 : memref<!tpu.dma_semaphore, #tpu.memory_space<semaphore_mem>>)
    %dma_wait3A_193 = arith.constant 0 : i32
    %dma_wait3A_194 = arith.constant 0 : i32
    %dma_wait3A_195 = tpu.memref_slice %arg5[%dma_wait3A_194] : memref<2x!tpu.dma_semaphore, #tpu.memory_space<semaphore_mem>> -> memref<1x!tpu.dma_semaphore, #tpu.memory_space<semaphore_mem>>
    %dma_wait3A_196 = tpu.memref_squeeze %dma_wait3A_195 : memref<1x!tpu.dma_semaphore, #tpu.memory_space<semaphore_mem>> -> memref<!tpu.dma_semaphore, #tpu.memory_space<semaphore_mem>>
    %dma_wait3A_197 = arith.constant 0 : i32
    %dma_wait3A_198 = arith.constant 0 : i32
    %dma_wait3A_199 = tpu.memref_slice %arg4[%arg1, %dma_wait3A_193, %dma_wait3A_197, %dma_wait3A_198] : memref<16x2x24x2048xf32, #tpu.memory_space<vmem_shared>> -> memref<1x1x24x2048xf32, #tpu.memory_space<vmem_shared>>
    %dma_wait3A_200 = tpu.memref_squeeze %dma_wait3A_199 : memref<1x1x24x2048xf32, #tpu.memory_space<vmem_shared>> -> memref<24x2048xf32, #tpu.memory_space<vmem_shared>>
    %dma_wait3A_201 = arith.constant 0 : i32
    %dma_wait3A_202 = tpu.memref_slice %arg2[%add3A_182, %dma_wait3A_201] : memref<8192x2048xf32, #tpu.memory_space<hbm>> -> memref<24x2048xf32, #tpu.memory_space<hbm>>
    tpu.wait_dma2 semaphore(%dma_wait3A_196 : memref<!tpu.dma_semaphore, #tpu.memory_space<semaphore_mem>>) src(%dma_wait3A_202 : memref<24x2048xf32, #tpu.memory_space<hbm>>) dst(%dma_wait3A_200 : memref<24x2048xf32, #tpu.memory_space<vmem_shared>>)
    %add3A_203 = arith.constant 96 : i32
    %add3A_204 = arith.addi %mul3A_2, %add3A_203 : i32
    %dma_start3A_205 = arith.constant 0 : i32
    %dma_start3A_206 = arith.constant 0 : i32
    %dma_start3A_207 = arith.constant 0 : i32
    %dma_start3A_208 = tpu.memref_slice %arg6[%dma_start3A_207] : memref<2x!tpu.dma_semaphore, #tpu.memory_space<semaphore_mem>> -> memref<1x!tpu.dma_semaphore, #tpu.memory_space<semaphore_mem>>
    %dma_start3A_209 = tpu.memref_squeeze %dma_start3A_208 : memref<1x!tpu.dma_semaphore, #tpu.memory_space<semaphore_mem>> -> memref<!tpu.dma_semaphore, #tpu.memory_space<semaphore_mem>>
    %dma_start3A_210 = arith.constant 0 : i32
    %dma_start3A_211 = tpu.memref_slice %arg3[%dma_start3A_206, %add3A_204, %dma_start3A_210] : memref<1x8192x2048xf32, #tpu.memory_space<hbm>> -> memref<1x24x2048xf32, #tpu.memory_space<hbm>>
    %dma_start3A_212 = tpu.memref_squeeze %dma_start3A_211 : memref<1x24x2048xf32, #tpu.memory_space<hbm>> -> memref<24x2048xf32, #tpu.memory_space<hbm>>
    %dma_start3A_213 = arith.constant 0 : i32
    %dma_start3A_214 = arith.constant 0 : i32
    %dma_start3A_215 = tpu.memref_slice %arg4[%arg1, %dma_start3A_205, %dma_start3A_213, %dma_start3A_214] : memref<16x2x24x2048xf32, #tpu.memory_space<vmem_shared>> -> memref<1x1x24x2048xf32, #tpu.memory_space<vmem_shared>>
    %dma_start3A_216 = tpu.memref_squeeze %dma_start3A_215 : memref<1x1x24x2048xf32, #tpu.memory_space<vmem_shared>> -> memref<24x2048xf32, #tpu.memory_space<vmem_shared>>
    tpu.enqueue_dma source(%dma_start3A_216 : memref<24x2048xf32, #tpu.memory_space<vmem_shared>>) target(%dma_start3A_212 : memref<24x2048xf32, #tpu.memory_space<hbm>>) target_semaphore(%dma_start3A_209 : memref<!tpu.dma_semaphore, #tpu.memory_space<semaphore_mem>>)
    %dma_wait3A_217 = arith.constant 1 : i32
    %dma_wait3A_218 = arith.constant 0 : i32
    %dma_wait3A_219 = arith.constant 1 : i32
    %dma_wait3A_220 = tpu.memref_slice %arg6[%dma_wait3A_219] : memref<2x!tpu.dma_semaphore, #tpu.memory_space<semaphore_mem>> -> memref<1x!tpu.dma_semaphore, #tpu.memory_space<semaphore_mem>>
    %dma_wait3A_221 = tpu.memref_squeeze %dma_wait3A_220 : memref<1x!tpu.dma_semaphore, #tpu.memory_space<semaphore_mem>> -> memref<!tpu.dma_semaphore, #tpu.memory_space<semaphore_mem>>
    %dma_wait3A_222 = arith.constant 0 : i32
    %dma_wait3A_223 = tpu.memref_slice %arg3[%dma_wait3A_218, %add3A_156, %dma_wait3A_222] : memref<1x8192x2048xf32, #tpu.memory_space<hbm>> -> memref<1x24x2048xf32, #tpu.memory_space<hbm>>
    %dma_wait3A_224 = tpu.memref_squeeze %dma_wait3A_223 : memref<1x24x2048xf32, #tpu.memory_space<hbm>> -> memref<24x2048xf32, #tpu.memory_space<hbm>>
    %dma_wait3A_225 = arith.constant 0 : i32
    %dma_wait3A_226 = arith.constant 0 : i32
    %dma_wait3A_227 = tpu.memref_slice %arg4[%arg1, %dma_wait3A_217, %dma_wait3A_225, %dma_wait3A_226] : memref<16x2x24x2048xf32, #tpu.memory_space<vmem_shared>> -> memref<1x1x24x2048xf32, #tpu.memory_space<vmem_shared>>
    %dma_wait3A_228 = tpu.memref_squeeze %dma_wait3A_227 : memref<1x1x24x2048xf32, #tpu.memory_space<vmem_shared>> -> memref<24x2048xf32, #tpu.memory_space<vmem_shared>>
    tpu.wait_dma2 semaphore(%dma_wait3A_221 : memref<!tpu.dma_semaphore, #tpu.memory_space<semaphore_mem>>) src(%dma_wait3A_228 : memref<24x2048xf32, #tpu.memory_space<vmem_shared>>) dst(%dma_wait3A_224 : memref<24x2048xf32, #tpu.memory_space<hbm>>)
    %add3A_229 = arith.constant 120 : i32
    %add3A_230 = arith.addi %mul3A_2, %add3A_229 : i32
    %dma_start3A_231 = arith.constant 1 : i32
    %dma_start3A_232 = arith.constant 1 : i32
    %dma_start3A_233 = tpu.memref_slice %arg5[%dma_start3A_232] : memref<2x!tpu.dma_semaphore, #tpu.memory_space<semaphore_mem>> -> memref<1x!tpu.dma_semaphore, #tpu.memory_space<semaphore_mem>>
    %dma_start3A_234 = tpu.memref_squeeze %dma_start3A_233 : memref<1x!tpu.dma_semaphore, #tpu.memory_space<semaphore_mem>> -> memref<!tpu.dma_semaphore, #tpu.memory_space<semaphore_mem>>
    %dma_start3A_235 = arith.constant 0 : i32
    %dma_start3A_236 = arith.constant 0 : i32
    %dma_start3A_237 = tpu.memref_slice %arg4[%arg1, %dma_start3A_231, %dma_start3A_235, %dma_start3A_236] : memref<16x2x24x2048xf32, #tpu.memory_space<vmem_shared>> -> memref<1x1x24x2048xf32, #tpu.memory_space<vmem_shared>>
    %dma_start3A_238 = tpu.memref_squeeze %dma_start3A_237 : memref<1x1x24x2048xf32, #tpu.memory_space<vmem_shared>> -> memref<24x2048xf32, #tpu.memory_space<vmem_shared>>
    %dma_start3A_239 = arith.constant 0 : i32
    %dma_start3A_240 = tpu.memref_slice %arg2[%add3A_230, %dma_start3A_239] : memref<8192x2048xf32, #tpu.memory_space<hbm>> -> memref<24x2048xf32, #tpu.memory_space<hbm>>
    tpu.enqueue_dma source(%dma_start3A_240 : memref<24x2048xf32, #tpu.memory_space<hbm>>) target(%dma_start3A_238 : memref<24x2048xf32, #tpu.memory_space<vmem_shared>>) target_semaphore(%dma_start3A_234 : memref<!tpu.dma_semaphore, #tpu.memory_space<semaphore_mem>>)
    %dma_wait3A_241 = arith.constant 1 : i32
    %dma_wait3A_242 = arith.constant 1 : i32
    %dma_wait3A_243 = tpu.memref_slice %arg5[%dma_wait3A_242] : memref<2x!tpu.dma_semaphore, #tpu.memory_space<semaphore_mem>> -> memref<1x!tpu.dma_semaphore, #tpu.memory_space<semaphore_mem>>
    %dma_wait3A_244 = tpu.memref_squeeze %dma_wait3A_243 : memref<1x!tpu.dma_semaphore, #tpu.memory_space<semaphore_mem>> -> memref<!tpu.dma_semaphore, #tpu.memory_space<semaphore_mem>>
    %dma_wait3A_245 = arith.constant 0 : i32
    %dma_wait3A_246 = arith.constant 0 : i32
    %dma_wait3A_247 = tpu.memref_slice %arg4[%arg1, %dma_wait3A_241, %dma_wait3A_245, %dma_wait3A_246] : memref<16x2x24x2048xf32, #tpu.memory_space<vmem_shared>> -> memref<1x1x24x2048xf32, #tpu.memory_space<vmem_shared>>
    %dma_wait3A_248 = tpu.memref_squeeze %dma_wait3A_247 : memref<1x1x24x2048xf32, #tpu.memory_space<vmem_shared>> -> memref<24x2048xf32, #tpu.memory_space<vmem_shared>>
    %dma_wait3A_249 = arith.constant 0 : i32
    %dma_wait3A_250 = tpu.memref_slice %arg2[%add3A_230, %dma_wait3A_249] : memref<8192x2048xf32, #tpu.memory_space<hbm>> -> memref<24x2048xf32, #tpu.memory_space<hbm>>
    tpu.wait_dma2 semaphore(%dma_wait3A_244 : memref<!tpu.dma_semaphore, #tpu.memory_space<semaphore_mem>>) src(%dma_wait3A_250 : memref<24x2048xf32, #tpu.memory_space<hbm>>) dst(%dma_wait3A_248 : memref<24x2048xf32, #tpu.memory_space<vmem_shared>>)
    %add3A_251 = arith.constant 120 : i32
    %add3A_252 = arith.addi %mul3A_2, %add3A_251 : i32
    %dma_start3A_253 = arith.constant 1 : i32
    %dma_start3A_254 = arith.constant 0 : i32
    %dma_start3A_255 = arith.constant 1 : i32
    %dma_start3A_256 = tpu.memref_slice %arg6[%dma_start3A_255] : memref<2x!tpu.dma_semaphore, #tpu.memory_space<semaphore_mem>> -> memref<1x!tpu.dma_semaphore, #tpu.memory_space<semaphore_mem>>
    %dma_start3A_257 = tpu.memref_squeeze %dma_start3A_256 : memref<1x!tpu.dma_semaphore, #tpu.memory_space<semaphore_mem>> -> memref<!tpu.dma_semaphore, #tpu.memory_space<semaphore_mem>>
    %dma_start3A_258 = arith.constant 0 : i32
    %dma_start3A_259 = tpu.memref_slice %arg3[%dma_start3A_254, %add3A_252, %dma_start3A_258] : memref<1x8192x2048xf32, #tpu.memory_space<hbm>> -> memref<1x24x2048xf32, #tpu.memory_space<hbm>>
    %dma_start3A_260 = tpu.memref_squeeze %dma_start3A_259 : memref<1x24x2048xf32, #tpu.memory_space<hbm>> -> memref<24x2048xf32, #tpu.memory_space<hbm>>
    %dma_start3A_261 = arith.constant 0 : i32
    %dma_start3A_262 = arith.constant 0 : i32
    %dma_start3A_263 = tpu.memref_slice %arg4[%arg1, %dma_start3A_253, %dma_start3A_261, %dma_start3A_262] : memref<16x2x24x2048xf32, #tpu.memory_space<vmem_shared>> -> memref<1x1x24x2048xf32, #tpu.memory_space<vmem_shared>>
    %dma_start3A_264 = tpu.memref_squeeze %dma_start3A_263 : memref<1x1x24x2048xf32, #tpu.memory_space<vmem_shared>> -> memref<24x2048xf32, #tpu.memory_space<vmem_shared>>
    tpu.enqueue_dma source(%dma_start3A_264 : memref<24x2048xf32, #tpu.memory_space<vmem_shared>>) target(%dma_start3A_260 : memref<24x2048xf32, #tpu.memory_space<hbm>>) target_semaphore(%dma_start3A_257 : memref<!tpu.dma_semaphore, #tpu.memory_space<semaphore_mem>>)
    %dma_wait3A_265 = arith.constant 0 : i32
    %dma_wait3A_266 = arith.constant 0 : i32
    %dma_wait3A_267 = arith.constant 0 : i32
    %dma_wait3A_268 = tpu.memref_slice %arg6[%dma_wait3A_267] : memref<2x!tpu.dma_semaphore, #tpu.memory_space<semaphore_mem>> -> memref<1x!tpu.dma_semaphore, #tpu.memory_space<semaphore_mem>>
    %dma_wait3A_269 = tpu.memref_squeeze %dma_wait3A_268 : memref<1x!tpu.dma_semaphore, #tpu.memory_space<semaphore_mem>> -> memref<!tpu.dma_semaphore, #tpu.memory_space<semaphore_mem>>
    %dma_wait3A_270 = arith.constant 0 : i32
    %dma_wait3A_271 = tpu.memref_slice %arg3[%dma_wait3A_266, %add3A_204, %dma_wait3A_270] : memref<1x8192x2048xf32, #tpu.memory_space<hbm>> -> memref<1x24x2048xf32, #tpu.memory_space<hbm>>
    %dma_wait3A_272 = tpu.memref_squeeze %dma_wait3A_271 : memref<1x24x2048xf32, #tpu.memory_space<hbm>> -> memref<24x2048xf32, #tpu.memory_space<hbm>>
    %dma_wait3A_273 = arith.constant 0 : i32
    %dma_wait3A_274 = arith.constant 0 : i32
    %dma_wait3A_275 = tpu.memref_slice %arg4[%arg1, %dma_wait3A_265, %dma_wait3A_273, %dma_wait3A_274] : memref<16x2x24x2048xf32, #tpu.memory_space<vmem_shared>> -> memref<1x1x24x2048xf32, #tpu.memory_space<vmem_shared>>
    %dma_wait3A_276 = tpu.memref_squeeze %dma_wait3A_275 : memref<1x1x24x2048xf32, #tpu.memory_space<vmem_shared>> -> memref<24x2048xf32, #tpu.memory_space<vmem_shared>>
    tpu.wait_dma2 semaphore(%dma_wait3A_269 : memref<!tpu.dma_semaphore, #tpu.memory_space<semaphore_mem>>) src(%dma_wait3A_276 : memref<24x2048xf32, #tpu.memory_space<vmem_shared>>) dst(%dma_wait3A_272 : memref<24x2048xf32, #tpu.memory_space<hbm>>)
    %add3A_277 = arith.constant 144 : i32
    %add3A_278 = arith.addi %mul3A_2, %add3A_277 : i32
    %dma_start3A_279 = arith.constant 0 : i32
    %dma_start3A_280 = arith.constant 0 : i32
    %dma_start3A_281 = tpu.memref_slice %arg5[%dma_start3A_280] : memref<2x!tpu.dma_semaphore, #tpu.memory_space<semaphore_mem>> -> memref<1x!tpu.dma_semaphore, #tpu.memory_space<semaphore_mem>>
    %dma_start3A_282 = tpu.memref_squeeze %dma_start3A_281 : memref<1x!tpu.dma_semaphore, #tpu.memory_space<semaphore_mem>> -> memref<!tpu.dma_semaphore, #tpu.memory_space<semaphore_mem>>
    %dma_start3A_283 = arith.constant 0 : i32
    %dma_start3A_284 = arith.constant 0 : i32
    %dma_start3A_285 = tpu.memref_slice %arg4[%arg1, %dma_start3A_279, %dma_start3A_283, %dma_start3A_284] : memref<16x2x24x2048xf32, #tpu.memory_space<vmem_shared>> -> memref<1x1x24x2048xf32, #tpu.memory_space<vmem_shared>>
    %dma_start3A_286 = tpu.memref_squeeze %dma_start3A_285 : memref<1x1x24x2048xf32, #tpu.memory_space<vmem_shared>> -> memref<24x2048xf32, #tpu.memory_space<vmem_shared>>
    %dma_start3A_287 = arith.constant 0 : i32
    %dma_start3A_288 = tpu.memref_slice %arg2[%add3A_278, %dma_start3A_287] : memref<8192x2048xf32, #tpu.memory_space<hbm>> -> memref<24x2048xf32, #tpu.memory_space<hbm>>
    tpu.enqueue_dma source(%dma_start3A_288 : memref<24x2048xf32, #tpu.memory_space<hbm>>) target(%dma_start3A_286 : memref<24x2048xf32, #tpu.memory_space<vmem_shared>>) target_semaphore(%dma_start3A_282 : memref<!tpu.dma_semaphore, #tpu.memory_space<semaphore_mem>>)
    %dma_wait3A_289 = arith.constant 0 : i32
    %dma_wait3A_290 = arith.constant 0 : i32
    %dma_wait3A_291 = tpu.memref_slice %arg5[%dma_wait3A_290] : memref<2x!tpu.dma_semaphore, #tpu.memory_space<semaphore_mem>> -> memref<1x!tpu.dma_semaphore, #tpu.memory_space<semaphore_mem>>
    %dma_wait3A_292 = tpu.memref_squeeze %dma_wait3A_291 : memref<1x!tpu.dma_semaphore, #tpu.memory_space<semaphore_mem>> -> memref<!tpu.dma_semaphore, #tpu.memory_space<semaphore_mem>>
    %dma_wait3A_293 = arith.constant 0 : i32
    %dma_wait3A_294 = arith.constant 0 : i32
    %dma_wait3A_295 = tpu.memref_slice %arg4[%arg1, %dma_wait3A_289, %dma_wait3A_293, %dma_wait3A_294] : memref<16x2x24x2048xf32, #tpu.memory_space<vmem_shared>> -> memref<1x1x24x2048xf32, #tpu.memory_space<vmem_shared>>
    %dma_wait3A_296 = tpu.memref_squeeze %dma_wait3A_295 : memref<1x1x24x2048xf32, #tpu.memory_space<vmem_shared>> -> memref<24x2048xf32, #tpu.memory_space<vmem_shared>>
    %dma_wait3A_297 = arith.constant 0 : i32
    %dma_wait3A_298 = tpu.memref_slice %arg2[%add3A_278, %dma_wait3A_297] : memref<8192x2048xf32, #tpu.memory_space<hbm>> -> memref<24x2048xf32, #tpu.memory_space<hbm>>
    tpu.wait_dma2 semaphore(%dma_wait3A_292 : memref<!tpu.dma_semaphore, #tpu.memory_space<semaphore_mem>>) src(%dma_wait3A_298 : memref<24x2048xf32, #tpu.memory_space<hbm>>) dst(%dma_wait3A_296 : memref<24x2048xf32, #tpu.memory_space<vmem_shared>>)
    %add3A_299 = arith.constant 144 : i32
    %add3A_300 = arith.addi %mul3A_2, %add3A_299 : i32
    %dma_start3A_301 = arith.constant 0 : i32
    %dma_start3A_302 = arith.constant 0 : i32
    %dma_start3A_303 = arith.constant 0 : i32
    %dma_start3A_304 = tpu.memref_slice %arg6[%dma_start3A_303] : memref<2x!tpu.dma_semaphore, #tpu.memory_space<semaphore_mem>> -> memref<1x!tpu.dma_semaphore, #tpu.memory_space<semaphore_mem>>
    %dma_start3A_305 = tpu.memref_squeeze %dma_start3A_304 : memref<1x!tpu.dma_semaphore, #tpu.memory_space<semaphore_mem>> -> memref<!tpu.dma_semaphore, #tpu.memory_space<semaphore_mem>>
    %dma_start3A_306 = arith.constant 0 : i32
    %dma_start3A_307 = tpu.memref_slice %arg3[%dma_start3A_302, %add3A_300, %dma_start3A_306] : memref<1x8192x2048xf32, #tpu.memory_space<hbm>> -> memref<1x24x2048xf32, #tpu.memory_space<hbm>>
    %dma_start3A_308 = tpu.memref_squeeze %dma_start3A_307 : memref<1x24x2048xf32, #tpu.memory_space<hbm>> -> memref<24x2048xf32, #tpu.memory_space<hbm>>
    %dma_start3A_309 = arith.constant 0 : i32
    %dma_start3A_310 = arith.constant 0 : i32
    %dma_start3A_311 = tpu.memref_slice %arg4[%arg1, %dma_start3A_301, %dma_start3A_309, %dma_start3A_310] : memref<16x2x24x2048xf32, #tpu.memory_space<vmem_shared>> -> memref<1x1x24x2048xf32, #tpu.memory_space<vmem_shared>>
    %dma_start3A_312 = tpu.memref_squeeze %dma_start3A_311 : memref<1x1x24x2048xf32, #tpu.memory_space<vmem_shared>> -> memref<24x2048xf32, #tpu.memory_space<vmem_shared>>
    tpu.enqueue_dma source(%dma_start3A_312 : memref<24x2048xf32, #tpu.memory_space<vmem_shared>>) target(%dma_start3A_308 : memref<24x2048xf32, #tpu.memory_space<hbm>>) target_semaphore(%dma_start3A_305 : memref<!tpu.dma_semaphore, #tpu.memory_space<semaphore_mem>>)
    %dma_wait3A_313 = arith.constant 1 : i32
    %dma_wait3A_314 = arith.constant 0 : i32
    %dma_wait3A_315 = arith.constant 1 : i32
    %dma_wait3A_316 = tpu.memref_slice %arg6[%dma_wait3A_315] : memref<2x!tpu.dma_semaphore, #tpu.memory_space<semaphore_mem>> -> memref<1x!tpu.dma_semaphore, #tpu.memory_space<semaphore_mem>>
    %dma_wait3A_317 = tpu.memref_squeeze %dma_wait3A_316 : memref<1x!tpu.dma_semaphore, #tpu.memory_space<semaphore_mem>> -> memref<!tpu.dma_semaphore, #tpu.memory_space<semaphore_mem>>
    %dma_wait3A_318 = arith.constant 0 : i32
    %dma_wait3A_319 = tpu.memref_slice %arg3[%dma_wait3A_314, %add3A_252, %dma_wait3A_318] : memref<1x8192x2048xf32, #tpu.memory_space<hbm>> -> memref<1x24x2048xf32, #tpu.memory_space<hbm>>
    %dma_wait3A_320 = tpu.memref_squeeze %dma_wait3A_319 : memref<1x24x2048xf32, #tpu.memory_space<hbm>> -> memref<24x2048xf32, #tpu.memory_space<hbm>>
    %dma_wait3A_321 = arith.constant 0 : i32
    %dma_wait3A_322 = arith.constant 0 : i32
    %dma_wait3A_323 = tpu.memref_slice %arg4[%arg1, %dma_wait3A_313, %dma_wait3A_321, %dma_wait3A_322] : memref<16x2x24x2048xf32, #tpu.memory_space<vmem_shared>> -> memref<1x1x24x2048xf32, #tpu.memory_space<vmem_shared>>
    %dma_wait3A_324 = tpu.memref_squeeze %dma_wait3A_323 : memref<1x1x24x2048xf32, #tpu.memory_space<vmem_shared>> -> memref<24x2048xf32, #tpu.memory_space<vmem_shared>>
    tpu.wait_dma2 semaphore(%dma_wait3A_317 : memref<!tpu.dma_semaphore, #tpu.memory_space<semaphore_mem>>) src(%dma_wait3A_324 : memref<24x2048xf32, #tpu.memory_space<vmem_shared>>) dst(%dma_wait3A_320 : memref<24x2048xf32, #tpu.memory_space<hbm>>)
    %add3A_325 = arith.constant 168 : i32
    %add3A_326 = arith.addi %mul3A_2, %add3A_325 : i32
    %dma_start3A_327 = arith.constant 1 : i32
    %dma_start3A_328 = arith.constant 1 : i32
    %dma_start3A_329 = tpu.memref_slice %arg5[%dma_start3A_328] : memref<2x!tpu.dma_semaphore, #tpu.memory_space<semaphore_mem>> -> memref<1x!tpu.dma_semaphore, #tpu.memory_space<semaphore_mem>>
    %dma_start3A_330 = tpu.memref_squeeze %dma_start3A_329 : memref<1x!tpu.dma_semaphore, #tpu.memory_space<semaphore_mem>> -> memref<!tpu.dma_semaphore, #tpu.memory_space<semaphore_mem>>
    %dma_start3A_331 = arith.constant 0 : i32
    %dma_start3A_332 = arith.constant 0 : i32
    %dma_start3A_333 = tpu.memref_slice %arg4[%arg1, %dma_start3A_327, %dma_start3A_331, %dma_start3A_332] : memref<16x2x24x2048xf32, #tpu.memory_space<vmem_shared>> -> memref<1x1x24x2048xf32, #tpu.memory_space<vmem_shared>>
    %dma_start3A_334 = tpu.memref_squeeze %dma_start3A_333 : memref<1x1x24x2048xf32, #tpu.memory_space<vmem_shared>> -> memref<24x2048xf32, #tpu.memory_space<vmem_shared>>
    %dma_start3A_335 = arith.constant 0 : i32
    %dma_start3A_336 = tpu.memref_slice %arg2[%add3A_326, %dma_start3A_335] : memref<8192x2048xf32, #tpu.memory_space<hbm>> -> memref<24x2048xf32, #tpu.memory_space<hbm>>
    tpu.enqueue_dma source(%dma_start3A_336 : memref<24x2048xf32, #tpu.memory_space<hbm>>) target(%dma_start3A_334 : memref<24x2048xf32, #tpu.memory_space<vmem_shared>>) target_semaphore(%dma_start3A_330 : memref<!tpu.dma_semaphore, #tpu.memory_space<semaphore_mem>>)
    %dma_wait3A_337 = arith.constant 1 : i32
    %dma_wait3A_338 = arith.constant 1 : i32
    %dma_wait3A_339 = tpu.memref_slice %arg5[%dma_wait3A_338] : memref<2x!tpu.dma_semaphore, #tpu.memory_space<semaphore_mem>> -> memref<1x!tpu.dma_semaphore, #tpu.memory_space<semaphore_mem>>
    %dma_wait3A_340 = tpu.memref_squeeze %dma_wait3A_339 : memref<1x!tpu.dma_semaphore, #tpu.memory_space<semaphore_mem>> -> memref<!tpu.dma_semaphore, #tpu.memory_space<semaphore_mem>>
    %dma_wait3A_341 = arith.constant 0 : i32
    %dma_wait3A_342 = arith.constant 0 : i32
    %dma_wait3A_343 = tpu.memref_slice %arg4[%arg1, %dma_wait3A_337, %dma_wait3A_341, %dma_wait3A_342] : memref<16x2x24x2048xf32, #tpu.memory_space<vmem_shared>> -> memref<1x1x24x2048xf32, #tpu.memory_space<vmem_shared>>
    %dma_wait3A_344 = tpu.memref_squeeze %dma_wait3A_343 : memref<1x1x24x2048xf32, #tpu.memory_space<vmem_shared>> -> memref<24x2048xf32, #tpu.memory_space<vmem_shared>>
    %dma_wait3A_345 = arith.constant 0 : i32
    %dma_wait3A_346 = tpu.memref_slice %arg2[%add3A_326, %dma_wait3A_345] : memref<8192x2048xf32, #tpu.memory_space<hbm>> -> memref<24x2048xf32, #tpu.memory_space<hbm>>
    tpu.wait_dma2 semaphore(%dma_wait3A_340 : memref<!tpu.dma_semaphore, #tpu.memory_space<semaphore_mem>>) src(%dma_wait3A_346 : memref<24x2048xf32, #tpu.memory_space<hbm>>) dst(%dma_wait3A_344 : memref<24x2048xf32, #tpu.memory_space<vmem_shared>>)
    %add3A_347 = arith.constant 168 : i32
    %add3A_348 = arith.addi %mul3A_2, %add3A_347 : i32
    %dma_start3A_349 = arith.constant 1 : i32
    %dma_start3A_350 = arith.constant 0 : i32
    %dma_start3A_351 = arith.constant 1 : i32
    %dma_start3A_352 = tpu.memref_slice %arg6[%dma_start3A_351] : memref<2x!tpu.dma_semaphore, #tpu.memory_space<semaphore_mem>> -> memref<1x!tpu.dma_semaphore, #tpu.memory_space<semaphore_mem>>
    %dma_start3A_353 = tpu.memref_squeeze %dma_start3A_352 : memref<1x!tpu.dma_semaphore, #tpu.memory_space<semaphore_mem>> -> memref<!tpu.dma_semaphore, #tpu.memory_space<semaphore_mem>>
    %dma_start3A_354 = arith.constant 0 : i32
    %dma_start3A_355 = tpu.memref_slice %arg3[%dma_start3A_350, %add3A_348, %dma_start3A_354] : memref<1x8192x2048xf32, #tpu.memory_space<hbm>> -> memref<1x24x2048xf32, #tpu.memory_space<hbm>>
    %dma_start3A_356 = tpu.memref_squeeze %dma_start3A_355 : memref<1x24x2048xf32, #tpu.memory_space<hbm>> -> memref<24x2048xf32, #tpu.memory_space<hbm>>
    %dma_start3A_357 = arith.constant 0 : i32
    %dma_start3A_358 = arith.constant 0 : i32
    %dma_start3A_359 = tpu.memref_slice %arg4[%arg1, %dma_start3A_349, %dma_start3A_357, %dma_start3A_358] : memref<16x2x24x2048xf32, #tpu.memory_space<vmem_shared>> -> memref<1x1x24x2048xf32, #tpu.memory_space<vmem_shared>>
    %dma_start3A_360 = tpu.memref_squeeze %dma_start3A_359 : memref<1x1x24x2048xf32, #tpu.memory_space<vmem_shared>> -> memref<24x2048xf32, #tpu.memory_space<vmem_shared>>
    tpu.enqueue_dma source(%dma_start3A_360 : memref<24x2048xf32, #tpu.memory_space<vmem_shared>>) target(%dma_start3A_356 : memref<24x2048xf32, #tpu.memory_space<hbm>>) target_semaphore(%dma_start3A_353 : memref<!tpu.dma_semaphore, #tpu.memory_space<semaphore_mem>>)
    %dma_wait3A_361 = arith.constant 0 : i32
    %dma_wait3A_362 = arith.constant 0 : i32
    %dma_wait3A_363 = arith.constant 0 : i32
    %dma_wait3A_364 = tpu.memref_slice %arg6[%dma_wait3A_363] : memref<2x!tpu.dma_semaphore, #tpu.memory_space<semaphore_mem>> -> memref<1x!tpu.dma_semaphore, #tpu.memory_space<semaphore_mem>>
    %dma_wait3A_365 = tpu.memref_squeeze %dma_wait3A_364 : memref<1x!tpu.dma_semaphore, #tpu.memory_space<semaphore_mem>> -> memref<!tpu.dma_semaphore, #tpu.memory_space<semaphore_mem>>
    %dma_wait3A_366 = arith.constant 0 : i32
    %dma_wait3A_367 = tpu.memref_slice %arg3[%dma_wait3A_362, %add3A_300, %dma_wait3A_366] : memref<1x8192x2048xf32, #tpu.memory_space<hbm>> -> memref<1x24x2048xf32, #tpu.memory_space<hbm>>
    %dma_wait3A_368 = tpu.memref_squeeze %dma_wait3A_367 : memref<1x24x2048xf32, #tpu.memory_space<hbm>> -> memref<24x2048xf32, #tpu.memory_space<hbm>>
    %dma_wait3A_369 = arith.constant 0 : i32
    %dma_wait3A_370 = arith.constant 0 : i32
    %dma_wait3A_371 = tpu.memref_slice %arg4[%arg1, %dma_wait3A_361, %dma_wait3A_369, %dma_wait3A_370] : memref<16x2x24x2048xf32, #tpu.memory_space<vmem_shared>> -> memref<1x1x24x2048xf32, #tpu.memory_space<vmem_shared>>
    %dma_wait3A_372 = tpu.memref_squeeze %dma_wait3A_371 : memref<1x1x24x2048xf32, #tpu.memory_space<vmem_shared>> -> memref<24x2048xf32, #tpu.memory_space<vmem_shared>>
    tpu.wait_dma2 semaphore(%dma_wait3A_365 : memref<!tpu.dma_semaphore, #tpu.memory_space<semaphore_mem>>) src(%dma_wait3A_372 : memref<24x2048xf32, #tpu.memory_space<vmem_shared>>) dst(%dma_wait3A_368 : memref<24x2048xf32, #tpu.memory_space<hbm>>)
    %add3A_373 = arith.constant 192 : i32
    %add3A_374 = arith.addi %mul3A_2, %add3A_373 : i32
    %dma_start3A_375 = arith.constant 0 : i32
    %dma_start3A_376 = arith.constant 0 : i32
    %dma_start3A_377 = tpu.memref_slice %arg5[%dma_start3A_376] : memref<2x!tpu.dma_semaphore, #tpu.memory_space<semaphore_mem>> -> memref<1x!tpu.dma_semaphore, #tpu.memory_space<semaphore_mem>>
    %dma_start3A_378 = tpu.memref_squeeze %dma_start3A_377 : memref<1x!tpu.dma_semaphore, #tpu.memory_space<semaphore_mem>> -> memref<!tpu.dma_semaphore, #tpu.memory_space<semaphore_mem>>
    %dma_start3A_379 = arith.constant 0 : i32
    %dma_start3A_380 = arith.constant 0 : i32
    %dma_start3A_381 = tpu.memref_slice %arg4[%arg1, %dma_start3A_375, %dma_start3A_379, %dma_start3A_380] : memref<16x2x24x2048xf32, #tpu.memory_space<vmem_shared>> -> memref<1x1x24x2048xf32, #tpu.memory_space<vmem_shared>>
    %dma_start3A_382 = tpu.memref_squeeze %dma_start3A_381 : memref<1x1x24x2048xf32, #tpu.memory_space<vmem_shared>> -> memref<24x2048xf32, #tpu.memory_space<vmem_shared>>
    %dma_start3A_383 = arith.constant 0 : i32
    %dma_start3A_384 = tpu.memref_slice %arg2[%add3A_374, %dma_start3A_383] : memref<8192x2048xf32, #tpu.memory_space<hbm>> -> memref<24x2048xf32, #tpu.memory_space<hbm>>
    tpu.enqueue_dma source(%dma_start3A_384 : memref<24x2048xf32, #tpu.memory_space<hbm>>) target(%dma_start3A_382 : memref<24x2048xf32, #tpu.memory_space<vmem_shared>>) target_semaphore(%dma_start3A_378 : memref<!tpu.dma_semaphore, #tpu.memory_space<semaphore_mem>>)
    %dma_wait3A_385 = arith.constant 0 : i32
    %dma_wait3A_386 = arith.constant 0 : i32
    %dma_wait3A_387 = tpu.memref_slice %arg5[%dma_wait3A_386] : memref<2x!tpu.dma_semaphore, #tpu.memory_space<semaphore_mem>> -> memref<1x!tpu.dma_semaphore, #tpu.memory_space<semaphore_mem>>
    %dma_wait3A_388 = tpu.memref_squeeze %dma_wait3A_387 : memref<1x!tpu.dma_semaphore, #tpu.memory_space<semaphore_mem>> -> memref<!tpu.dma_semaphore, #tpu.memory_space<semaphore_mem>>
    %dma_wait3A_389 = arith.constant 0 : i32
    %dma_wait3A_390 = arith.constant 0 : i32
    %dma_wait3A_391 = tpu.memref_slice %arg4[%arg1, %dma_wait3A_385, %dma_wait3A_389, %dma_wait3A_390] : memref<16x2x24x2048xf32, #tpu.memory_space<vmem_shared>> -> memref<1x1x24x2048xf32, #tpu.memory_space<vmem_shared>>
    %dma_wait3A_392 = tpu.memref_squeeze %dma_wait3A_391 : memref<1x1x24x2048xf32, #tpu.memory_space<vmem_shared>> -> memref<24x2048xf32, #tpu.memory_space<vmem_shared>>
    %dma_wait3A_393 = arith.constant 0 : i32
    %dma_wait3A_394 = tpu.memref_slice %arg2[%add3A_374, %dma_wait3A_393] : memref<8192x2048xf32, #tpu.memory_space<hbm>> -> memref<24x2048xf32, #tpu.memory_space<hbm>>
    tpu.wait_dma2 semaphore(%dma_wait3A_388 : memref<!tpu.dma_semaphore, #tpu.memory_space<semaphore_mem>>) src(%dma_wait3A_394 : memref<24x2048xf32, #tpu.memory_space<hbm>>) dst(%dma_wait3A_392 : memref<24x2048xf32, #tpu.memory_space<vmem_shared>>)
    %add3A_395 = arith.constant 192 : i32
    %add3A_396 = arith.addi %mul3A_2, %add3A_395 : i32
    %dma_start3A_397 = arith.constant 0 : i32
    %dma_start3A_398 = arith.constant 0 : i32
    %dma_start3A_399 = arith.constant 0 : i32
    %dma_start3A_400 = tpu.memref_slice %arg6[%dma_start3A_399] : memref<2x!tpu.dma_semaphore, #tpu.memory_space<semaphore_mem>> -> memref<1x!tpu.dma_semaphore, #tpu.memory_space<semaphore_mem>>
    %dma_start3A_401 = tpu.memref_squeeze %dma_start3A_400 : memref<1x!tpu.dma_semaphore, #tpu.memory_space<semaphore_mem>> -> memref<!tpu.dma_semaphore, #tpu.memory_space<semaphore_mem>>
    %dma_start3A_402 = arith.constant 0 : i32
    %dma_start3A_403 = tpu.memref_slice %arg3[%dma_start3A_398, %add3A_396, %dma_start3A_402] : memref<1x8192x2048xf32, #tpu.memory_space<hbm>> -> memref<1x24x2048xf32, #tpu.memory_space<hbm>>
    %dma_start3A_404 = tpu.memref_squeeze %dma_start3A_403 : memref<1x24x2048xf32, #tpu.memory_space<hbm>> -> memref<24x2048xf32, #tpu.memory_space<hbm>>
    %dma_start3A_405 = arith.constant 0 : i32
    %dma_start3A_406 = arith.constant 0 : i32
    %dma_start3A_407 = tpu.memref_slice %arg4[%arg1, %dma_start3A_397, %dma_start3A_405, %dma_start3A_406] : memref<16x2x24x2048xf32, #tpu.memory_space<vmem_shared>> -> memref<1x1x24x2048xf32, #tpu.memory_space<vmem_shared>>
    %dma_start3A_408 = tpu.memref_squeeze %dma_start3A_407 : memref<1x1x24x2048xf32, #tpu.memory_space<vmem_shared>> -> memref<24x2048xf32, #tpu.memory_space<vmem_shared>>
    tpu.enqueue_dma source(%dma_start3A_408 : memref<24x2048xf32, #tpu.memory_space<vmem_shared>>) target(%dma_start3A_404 : memref<24x2048xf32, #tpu.memory_space<hbm>>) target_semaphore(%dma_start3A_401 : memref<!tpu.dma_semaphore, #tpu.memory_space<semaphore_mem>>)
    %dma_wait3A_409 = arith.constant 1 : i32
    %dma_wait3A_410 = arith.constant 0 : i32
    %dma_wait3A_411 = arith.constant 1 : i32
    %dma_wait3A_412 = tpu.memref_slice %arg6[%dma_wait3A_411] : memref<2x!tpu.dma_semaphore, #tpu.memory_space<semaphore_mem>> -> memref<1x!tpu.dma_semaphore, #tpu.memory_space<semaphore_mem>>
    %dma_wait3A_413 = tpu.memref_squeeze %dma_wait3A_412 : memref<1x!tpu.dma_semaphore, #tpu.memory_space<semaphore_mem>> -> memref<!tpu.dma_semaphore, #tpu.memory_space<semaphore_mem>>
    %dma_wait3A_414 = arith.constant 0 : i32
    %dma_wait3A_415 = tpu.memref_slice %arg3[%dma_wait3A_410, %add3A_348, %dma_wait3A_414] : memref<1x8192x2048xf32, #tpu.memory_space<hbm>> -> memref<1x24x2048xf32, #tpu.memory_space<hbm>>
    %dma_wait3A_416 = tpu.memref_squeeze %dma_wait3A_415 : memref<1x24x2048xf32, #tpu.memory_space<hbm>> -> memref<24x2048xf32, #tpu.memory_space<hbm>>
    %dma_wait3A_417 = arith.constant 0 : i32
    %dma_wait3A_418 = arith.constant 0 : i32
    %dma_wait3A_419 = tpu.memref_slice %arg4[%arg1, %dma_wait3A_409, %dma_wait3A_417, %dma_wait3A_418] : memref<16x2x24x2048xf32, #tpu.memory_space<vmem_shared>> -> memref<1x1x24x2048xf32, #tpu.memory_space<vmem_shared>>
    %dma_wait3A_420 = tpu.memref_squeeze %dma_wait3A_419 : memref<1x1x24x2048xf32, #tpu.memory_space<vmem_shared>> -> memref<24x2048xf32, #tpu.memory_space<vmem_shared>>
    tpu.wait_dma2 semaphore(%dma_wait3A_413 : memref<!tpu.dma_semaphore, #tpu.memory_space<semaphore_mem>>) src(%dma_wait3A_420 : memref<24x2048xf32, #tpu.memory_space<vmem_shared>>) dst(%dma_wait3A_416 : memref<24x2048xf32, #tpu.memory_space<hbm>>)
    %add3A_421 = arith.constant 216 : i32
    %add3A_422 = arith.addi %mul3A_2, %add3A_421 : i32
    %dma_start3A_423 = arith.constant 1 : i32
    %dma_start3A_424 = arith.constant 1 : i32
    %dma_start3A_425 = tpu.memref_slice %arg5[%dma_start3A_424] : memref<2x!tpu.dma_semaphore, #tpu.memory_space<semaphore_mem>> -> memref<1x!tpu.dma_semaphore, #tpu.memory_space<semaphore_mem>>
    %dma_start3A_426 = tpu.memref_squeeze %dma_start3A_425 : memref<1x!tpu.dma_semaphore, #tpu.memory_space<semaphore_mem>> -> memref<!tpu.dma_semaphore, #tpu.memory_space<semaphore_mem>>
    %dma_start3A_427 = arith.constant 0 : i32
    %dma_start3A_428 = arith.constant 0 : i32
    %dma_start3A_429 = tpu.memref_slice %arg4[%arg1, %dma_start3A_423, %dma_start3A_427, %dma_start3A_428] : memref<16x2x24x2048xf32, #tpu.memory_space<vmem_shared>> -> memref<1x1x24x2048xf32, #tpu.memory_space<vmem_shared>>
    %dma_start3A_430 = tpu.memref_squeeze %dma_start3A_429 : memref<1x1x24x2048xf32, #tpu.memory_space<vmem_shared>> -> memref<24x2048xf32, #tpu.memory_space<vmem_shared>>
    %dma_start3A_431 = arith.constant 0 : i32
    %dma_start3A_432 = tpu.memref_slice %arg2[%add3A_422, %dma_start3A_431] : memref<8192x2048xf32, #tpu.memory_space<hbm>> -> memref<24x2048xf32, #tpu.memory_space<hbm>>
    tpu.enqueue_dma source(%dma_start3A_432 : memref<24x2048xf32, #tpu.memory_space<hbm>>) target(%dma_start3A_430 : memref<24x2048xf32, #tpu.memory_space<vmem_shared>>) target_semaphore(%dma_start3A_426 : memref<!tpu.dma_semaphore, #tpu.memory_space<semaphore_mem>>)
    %dma_wait3A_433 = arith.constant 1 : i32
    %dma_wait3A_434 = arith.constant 1 : i32
    %dma_wait3A_435 = tpu.memref_slice %arg5[%dma_wait3A_434] : memref<2x!tpu.dma_semaphore, #tpu.memory_space<semaphore_mem>> -> memref<1x!tpu.dma_semaphore, #tpu.memory_space<semaphore_mem>>
    %dma_wait3A_436 = tpu.memref_squeeze %dma_wait3A_435 : memref<1x!tpu.dma_semaphore, #tpu.memory_space<semaphore_mem>> -> memref<!tpu.dma_semaphore, #tpu.memory_space<semaphore_mem>>
    %dma_wait3A_437 = arith.constant 0 : i32
    %dma_wait3A_438 = arith.constant 0 : i32
    %dma_wait3A_439 = tpu.memref_slice %arg4[%arg1, %dma_wait3A_433, %dma_wait3A_437, %dma_wait3A_438] : memref<16x2x24x2048xf32, #tpu.memory_space<vmem_shared>> -> memref<1x1x24x2048xf32, #tpu.memory_space<vmem_shared>>
    %dma_wait3A_440 = tpu.memref_squeeze %dma_wait3A_439 : memref<1x1x24x2048xf32, #tpu.memory_space<vmem_shared>> -> memref<24x2048xf32, #tpu.memory_space<vmem_shared>>
    %dma_wait3A_441 = arith.constant 0 : i32
    %dma_wait3A_442 = tpu.memref_slice %arg2[%add3A_422, %dma_wait3A_441] : memref<8192x2048xf32, #tpu.memory_space<hbm>> -> memref<24x2048xf32, #tpu.memory_space<hbm>>
    tpu.wait_dma2 semaphore(%dma_wait3A_436 : memref<!tpu.dma_semaphore, #tpu.memory_space<semaphore_mem>>) src(%dma_wait3A_442 : memref<24x2048xf32, #tpu.memory_space<hbm>>) dst(%dma_wait3A_440 : memref<24x2048xf32, #tpu.memory_space<vmem_shared>>)
    %add3A_443 = arith.constant 216 : i32
    %add3A_444 = arith.addi %mul3A_2, %add3A_443 : i32
    %dma_start3A_445 = arith.constant 1 : i32
    %dma_start3A_446 = arith.constant 0 : i32
    %dma_start3A_447 = arith.constant 1 : i32
    %dma_start3A_448 = tpu.memref_slice %arg6[%dma_start3A_447] : memref<2x!tpu.dma_semaphore, #tpu.memory_space<semaphore_mem>> -> memref<1x!tpu.dma_semaphore, #tpu.memory_space<semaphore_mem>>
    %dma_start3A_449 = tpu.memref_squeeze %dma_start3A_448 : memref<1x!tpu.dma_semaphore, #tpu.memory_space<semaphore_mem>> -> memref<!tpu.dma_semaphore, #tpu.memory_space<semaphore_mem>>
    %dma_start3A_450 = arith.constant 0 : i32
    %dma_start3A_451 = tpu.memref_slice %arg3[%dma_start3A_446, %add3A_444, %dma_start3A_450] : memref<1x8192x2048xf32, #tpu.memory_space<hbm>> -> memref<1x24x2048xf32, #tpu.memory_space<hbm>>
    %dma_start3A_452 = tpu.memref_squeeze %dma_start3A_451 : memref<1x24x2048xf32, #tpu.memory_space<hbm>> -> memref<24x2048xf32, #tpu.memory_space<hbm>>
    %dma_start3A_453 = arith.constant 0 : i32
    %dma_start3A_454 = arith.constant 0 : i32
    %dma_start3A_455 = tpu.memref_slice %arg4[%arg1, %dma_start3A_445, %dma_start3A_453, %dma_start3A_454] : memref<16x2x24x2048xf32, #tpu.memory_space<vmem_shared>> -> memref<1x1x24x2048xf32, #tpu.memory_space<vmem_shared>>
    %dma_start3A_456 = tpu.memref_squeeze %dma_start3A_455 : memref<1x1x24x2048xf32, #tpu.memory_space<vmem_shared>> -> memref<24x2048xf32, #tpu.memory_space<vmem_shared>>
    tpu.enqueue_dma source(%dma_start3A_456 : memref<24x2048xf32, #tpu.memory_space<vmem_shared>>) target(%dma_start3A_452 : memref<24x2048xf32, #tpu.memory_space<hbm>>) target_semaphore(%dma_start3A_449 : memref<!tpu.dma_semaphore, #tpu.memory_space<semaphore_mem>>)
    %dma_wait3A_457 = arith.constant 0 : i32
    %dma_wait3A_458 = arith.constant 0 : i32
    %dma_wait3A_459 = arith.constant 0 : i32
    %dma_wait3A_460 = tpu.memref_slice %arg6[%dma_wait3A_459] : memref<2x!tpu.dma_semaphore, #tpu.memory_space<semaphore_mem>> -> memref<1x!tpu.dma_semaphore, #tpu.memory_space<semaphore_mem>>
    %dma_wait3A_461 = tpu.memref_squeeze %dma_wait3A_460 : memref<1x!tpu.dma_semaphore, #tpu.memory_space<semaphore_mem>> -> memref<!tpu.dma_semaphore, #tpu.memory_space<semaphore_mem>>
    %dma_wait3A_462 = arith.constant 0 : i32
    %dma_wait3A_463 = tpu.memref_slice %arg3[%dma_wait3A_458, %add3A_396, %dma_wait3A_462] : memref<1x8192x2048xf32, #tpu.memory_space<hbm>> -> memref<1x24x2048xf32, #tpu.memory_space<hbm>>
    %dma_wait3A_464 = tpu.memref_squeeze %dma_wait3A_463 : memref<1x24x2048xf32, #tpu.memory_space<hbm>> -> memref<24x2048xf32, #tpu.memory_space<hbm>>
    %dma_wait3A_465 = arith.constant 0 : i32
    %dma_wait3A_466 = arith.constant 0 : i32
    %dma_wait3A_467 = tpu.memref_slice %arg4[%arg1, %dma_wait3A_457, %dma_wait3A_465, %dma_wait3A_466] : memref<16x2x24x2048xf32, #tpu.memory_space<vmem_shared>> -> memref<1x1x24x2048xf32, #tpu.memory_space<vmem_shared>>
    %dma_wait3A_468 = tpu.memref_squeeze %dma_wait3A_467 : memref<1x1x24x2048xf32, #tpu.memory_space<vmem_shared>> -> memref<24x2048xf32, #tpu.memory_space<vmem_shared>>
    tpu.wait_dma2 semaphore(%dma_wait3A_461 : memref<!tpu.dma_semaphore, #tpu.memory_space<semaphore_mem>>) src(%dma_wait3A_468 : memref<24x2048xf32, #tpu.memory_space<vmem_shared>>) dst(%dma_wait3A_464 : memref<24x2048xf32, #tpu.memory_space<hbm>>)
    %add3A_469 = arith.constant 240 : i32
    %add3A_470 = arith.addi %mul3A_2, %add3A_469 : i32
    %dma_start3A_471 = arith.constant 0 : i32
    %dma_start3A_472 = arith.constant 0 : i32
    %dma_start3A_473 = tpu.memref_slice %arg5[%dma_start3A_472] : memref<2x!tpu.dma_semaphore, #tpu.memory_space<semaphore_mem>> -> memref<1x!tpu.dma_semaphore, #tpu.memory_space<semaphore_mem>>
    %dma_start3A_474 = tpu.memref_squeeze %dma_start3A_473 : memref<1x!tpu.dma_semaphore, #tpu.memory_space<semaphore_mem>> -> memref<!tpu.dma_semaphore, #tpu.memory_space<semaphore_mem>>
    %dma_start3A_475 = arith.constant 0 : i32
    %dma_start3A_476 = arith.constant 0 : i32
    %dma_start3A_477 = tpu.memref_slice %arg4[%arg1, %dma_start3A_471, %dma_start3A_475, %dma_start3A_476] : memref<16x2x24x2048xf32, #tpu.memory_space<vmem_shared>> -> memref<1x1x16x2048xf32, #tpu.memory_space<vmem_shared>>
    %dma_start3A_478 = tpu.memref_squeeze %dma_start3A_477 : memref<1x1x16x2048xf32, #tpu.memory_space<vmem_shared>> -> memref<16x2048xf32, #tpu.memory_space<vmem_shared>>
    %dma_start3A_479 = arith.constant 0 : i32
    %dma_start3A_480 = tpu.memref_slice %arg2[%add3A_470, %dma_start3A_479] : memref<8192x2048xf32, #tpu.memory_space<hbm>> -> memref<16x2048xf32, #tpu.memory_space<hbm>>
    tpu.enqueue_dma source(%dma_start3A_480 : memref<16x2048xf32, #tpu.memory_space<hbm>>) target(%dma_start3A_478 : memref<16x2048xf32, #tpu.memory_space<vmem_shared>>) target_semaphore(%dma_start3A_474 : memref<!tpu.dma_semaphore, #tpu.memory_space<semaphore_mem>>)
    %dma_wait3A_481 = arith.constant 0 : i32
    %dma_wait3A_482 = arith.constant 0 : i32
    %dma_wait3A_483 = tpu.memref_slice %arg5[%dma_wait3A_482] : memref<2x!tpu.dma_semaphore, #tpu.memory_space<semaphore_mem>> -> memref<1x!tpu.dma_semaphore, #tpu.memory_space<semaphore_mem>>
    %dma_wait3A_484 = tpu.memref_squeeze %dma_wait3A_483 : memref<1x!tpu.dma_semaphore, #tpu.memory_space<semaphore_mem>> -> memref<!tpu.dma_semaphore, #tpu.memory_space<semaphore_mem>>
    %dma_wait3A_485 = arith.constant 0 : i32
    %dma_wait3A_486 = arith.constant 0 : i32
    %dma_wait3A_487 = tpu.memref_slice %arg4[%arg1, %dma_wait3A_481, %dma_wait3A_485, %dma_wait3A_486] : memref<16x2x24x2048xf32, #tpu.memory_space<vmem_shared>> -> memref<1x1x16x2048xf32, #tpu.memory_space<vmem_shared>>
    %dma_wait3A_488 = tpu.memref_squeeze %dma_wait3A_487 : memref<1x1x16x2048xf32, #tpu.memory_space<vmem_shared>> -> memref<16x2048xf32, #tpu.memory_space<vmem_shared>>
    %dma_wait3A_489 = arith.constant 0 : i32
    %dma_wait3A_490 = tpu.memref_slice %arg2[%add3A_470, %dma_wait3A_489] : memref<8192x2048xf32, #tpu.memory_space<hbm>> -> memref<16x2048xf32, #tpu.memory_space<hbm>>
    tpu.wait_dma2 semaphore(%dma_wait3A_484 : memref<!tpu.dma_semaphore, #tpu.memory_space<semaphore_mem>>) src(%dma_wait3A_490 : memref<16x2048xf32, #tpu.memory_space<hbm>>) dst(%dma_wait3A_488 : memref<16x2048xf32, #tpu.memory_space<vmem_shared>>)
    %add3A_491 = arith.constant 240 : i32
    %add3A_492 = arith.addi %mul3A_2, %add3A_491 : i32
    %dma_start3A_493 = arith.constant 0 : i32
    %dma_start3A_494 = arith.constant 0 : i32
    %dma_start3A_495 = arith.constant 0 : i32
    %dma_start3A_496 = tpu.memref_slice %arg6[%dma_start3A_495] : memref<2x!tpu.dma_semaphore, #tpu.memory_space<semaphore_mem>> -> memref<1x!tpu.dma_semaphore, #tpu.memory_space<semaphore_mem>>
    %dma_start3A_497 = tpu.memref_squeeze %dma_start3A_496 : memref<1x!tpu.dma_semaphore, #tpu.memory_space<semaphore_mem>> -> memref<!tpu.dma_semaphore, #tpu.memory_space<semaphore_mem>>
    %dma_start3A_498 = arith.constant 0 : i32
    %dma_start3A_499 = tpu.memref_slice %arg3[%dma_start3A_494, %add3A_492, %dma_start3A_498] : memref<1x8192x2048xf32, #tpu.memory_space<hbm>> -> memref<1x16x2048xf32, #tpu.memory_space<hbm>>
    %dma_start3A_500 = tpu.memref_squeeze %dma_start3A_499 : memref<1x16x2048xf32, #tpu.memory_space<hbm>> -> memref<16x2048xf32, #tpu.memory_space<hbm>>
    %dma_start3A_501 = arith.constant 0 : i32
    %dma_start3A_502 = arith.constant 0 : i32
    %dma_start3A_503 = tpu.memref_slice %arg4[%arg1, %dma_start3A_493, %dma_start3A_501, %dma_start3A_502] : memref<16x2x24x2048xf32, #tpu.memory_space<vmem_shared>> -> memref<1x1x16x2048xf32, #tpu.memory_space<vmem_shared>>
    %dma_start3A_504 = tpu.memref_squeeze %dma_start3A_503 : memref<1x1x16x2048xf32, #tpu.memory_space<vmem_shared>> -> memref<16x2048xf32, #tpu.memory_space<vmem_shared>>
    tpu.enqueue_dma source(%dma_start3A_504 : memref<16x2048xf32, #tpu.memory_space<vmem_shared>>) target(%dma_start3A_500 : memref<16x2048xf32, #tpu.memory_space<hbm>>) target_semaphore(%dma_start3A_497 : memref<!tpu.dma_semaphore, #tpu.memory_space<semaphore_mem>>)
    %dma_wait3A_505 = arith.constant 1 : i32
    %dma_wait3A_506 = arith.constant 0 : i32
    %dma_wait3A_507 = arith.constant 1 : i32
    %dma_wait3A_508 = tpu.memref_slice %arg6[%dma_wait3A_507] : memref<2x!tpu.dma_semaphore, #tpu.memory_space<semaphore_mem>> -> memref<1x!tpu.dma_semaphore, #tpu.memory_space<semaphore_mem>>
    %dma_wait3A_509 = tpu.memref_squeeze %dma_wait3A_508 : memref<1x!tpu.dma_semaphore, #tpu.memory_space<semaphore_mem>> -> memref<!tpu.dma_semaphore, #tpu.memory_space<semaphore_mem>>
    %dma_wait3A_510 = arith.constant 0 : i32
    %dma_wait3A_511 = tpu.memref_slice %arg3[%dma_wait3A_506, %add3A_444, %dma_wait3A_510] : memref<1x8192x2048xf32, #tpu.memory_space<hbm>> -> memref<1x24x2048xf32, #tpu.memory_space<hbm>>
    %dma_wait3A_512 = tpu.memref_squeeze %dma_wait3A_511 : memref<1x24x2048xf32, #tpu.memory_space<hbm>> -> memref<24x2048xf32, #tpu.memory_space<hbm>>
    %dma_wait3A_513 = arith.constant 0 : i32
    %dma_wait3A_514 = arith.constant 0 : i32
    %dma_wait3A_515 = tpu.memref_slice %arg4[%arg1, %dma_wait3A_505, %dma_wait3A_513, %dma_wait3A_514] : memref<16x2x24x2048xf32, #tpu.memory_space<vmem_shared>> -> memref<1x1x24x2048xf32, #tpu.memory_space<vmem_shared>>
    %dma_wait3A_516 = tpu.memref_squeeze %dma_wait3A_515 : memref<1x1x24x2048xf32, #tpu.memory_space<vmem_shared>> -> memref<24x2048xf32, #tpu.memory_space<vmem_shared>>
    tpu.wait_dma2 semaphore(%dma_wait3A_509 : memref<!tpu.dma_semaphore, #tpu.memory_space<semaphore_mem>>) src(%dma_wait3A_516 : memref<24x2048xf32, #tpu.memory_space<vmem_shared>>) dst(%dma_wait3A_512 : memref<24x2048xf32, #tpu.memory_space<hbm>>)
    %dma_wait3A_517 = arith.constant 0 : i32
    %dma_wait3A_518 = arith.constant 0 : i32
    %dma_wait3A_519 = arith.constant 0 : i32
    %dma_wait3A_520 = tpu.memref_slice %arg6[%dma_wait3A_519] : memref<2x!tpu.dma_semaphore, #tpu.memory_space<semaphore_mem>> -> memref<1x!tpu.dma_semaphore, #tpu.memory_space<semaphore_mem>>
    %dma_wait3A_521 = tpu.memref_squeeze %dma_wait3A_520 : memref<1x!tpu.dma_semaphore, #tpu.memory_space<semaphore_mem>> -> memref<!tpu.dma_semaphore, #tpu.memory_space<semaphore_mem>>
    %dma_wait3A_522 = arith.constant 0 : i32
    %dma_wait3A_523 = tpu.memref_slice %arg3[%dma_wait3A_518, %add3A_492, %dma_wait3A_522] : memref<1x8192x2048xf32, #tpu.memory_space<hbm>> -> memref<1x16x2048xf32, #tpu.memory_space<hbm>>
    %dma_wait3A_524 = tpu.memref_squeeze %dma_wait3A_523 : memref<1x16x2048xf32, #tpu.memory_space<hbm>> -> memref<16x2048xf32, #tpu.memory_space<hbm>>
    %dma_wait3A_525 = arith.constant 0 : i32
    %dma_wait3A_526 = arith.constant 0 : i32
    %dma_wait3A_527 = tpu.memref_slice %arg4[%arg1, %dma_wait3A_517, %dma_wait3A_525, %dma_wait3A_526] : memref<16x2x24x2048xf32, #tpu.memory_space<vmem_shared>> -> memref<1x1x16x2048xf32, #tpu.memory_space<vmem_shared>>
    %dma_wait3A_528 = tpu.memref_squeeze %dma_wait3A_527 : memref<1x1x16x2048xf32, #tpu.memory_space<vmem_shared>> -> memref<16x2048xf32, #tpu.memory_space<vmem_shared>>
    tpu.wait_dma2 semaphore(%dma_wait3A_521 : memref<!tpu.dma_semaphore, #tpu.memory_space<semaphore_mem>>) src(%dma_wait3A_528 : memref<16x2048xf32, #tpu.memory_space<vmem_shared>>) dst(%dma_wait3A_524 : memref<16x2048xf32, #tpu.memory_space<hbm>>)
    return
  }
}

</mosaic_0001>

<sc_bundles>
// kernel: kernel.3.cloned.1.call-start
scs
__scs_entry_jumppad:
0x0: {  	(pc) =	sbr.rel $0x88, $3  }
0x1: {  	(tag) =	ssettag $0x0;
	lr =	simm.s32 $0x1  }
0x2: {  	[smem:$0x3FA0] =	sst lr;
	_ =	strace $0xD0000000  }
0x3: {  	_ = 	snop  }
0x4: {  	_ = 	snop  }
0x5: {  	_ = 	snop  }
0x6: {  	_ = 	snop  }
0x7: {  	_ = 	snop  }
__scs_overlays_trampoline_lowered:
0x8: {  	[smem:$0x3FAF] =	sst s0  }
0x9: {  	[smem:$0x3FB0] =	sst s1  }
0xa: {  	[smem:$0x3FB1] =	sst s2  }
0xb: {  	[smem:$0x3FB2] =	sst s3  }
0xc: {  	[smem:$0x3FB3] =	sst s4  }
0xd: {  	[smem:$0x3FB4] =	sst s5  }
0xe: {  	[smem:$0x3FB5] =	sst s6  }
0xf: {  	[smem:$0x3FB6] =	sst s7  }
0x10: {  	[smem:$0x3FB7] =	sst s8  }
0x11: {  	[smem:$0x3FB8] =	sst s9;
	s0 =	simm.s32 @!p0 $0x0  }
0x12: {  	s1 =	sld [smem:$0x3F9E];
	s0 =	simm.s32 @p0 $0x1  }
0x13: {  	[smem:$0x3FB9] =	sst s0;
	s0 =	simm.s32 @!p1 $0x0  }
0x14: {  	s2 =	sld [smem:$0x3F9D];
	s0 =	simm.s32 @p1 $0x1  }
0x15: {  	[smem:$0x3FBA] =	sst s0;
	s0 =	simm.s32 @!p2 $0x0  }
0x16: {  	s3 =	sld [smem:$0x3FDB];
	s0 =	simm.s32 @p2 $0x1  }
0x17: {  	s4 =	simm.s32 $0x1BF5;
	[smem:$0x3FBC] =	sst s0  }
0x18: {  	s0 =	sld [smem:$0x3F9F];
	_ =	swait.ge [sflag:s4], $0x0  }
0x19: {  	s7 =	sld [smem:$0x3FA0]  }
0x1a: {  	s8 =	sadd.s32 $0xFFFFE003, lr  }
0x1b: {  	s9 =	sadd.s32 $0xFFFFFEF7, lr;
	s5 =	simm.s32 $0xFFFFFFFF;
	p2 =	slt.u32 s8, $0xFFFFF086  }
0x1c: {  	p1 =	slt.u32 s9, $0xF7A;
	s5 =	simm.s32 @!p2 $0x0  }
0x1d: {  	s5 =	simm.s32 @p1 $0x1;
	p0 =	seq.s32 s7, s2  }
0x1e: {  	s7 =	smul.u32 @!p0 $0xF7A, s2;
	p2 =	seq.s32 @!p0 s5, $0x0  }
0x1f: {  	s9 =	smul.u32 $0xF7A, s1;
	s8 =	simm.s32 @!p0 $0x1BF5;
	p2 =	por !p2, p0  }
0x20: {  	[sflag:s8] =	ssyncset.s32 @!p0 $0xFFFFF086;
	s6 =	sadd.s32 @!p0 s3, s7;
	s7 =	simm.s32 @!p0 $0x108  }
0x21: {  	s3 =	sadd.s32 s3, s9;
	s6 =	sadd.s32 @!p0 $0x88, s6;
	s7 =	simm.s32 @p2 $0x1082  }
0x22: {  	[simem:s7], [sflag:s8] =	dma.local @!p0 [hbm:s6], $0xF7A  }
0x23: {  	s9 =	sor.u32 $0xD0000000, s2;
	s6 =	simm.s32 $0x108;
	_ =	swait.ge @!p0 [sflag:s8], $0x0  }
0x24: {  	s3 =	sadd.s32 $0x88, s3;
	s6 =	simm.s32 @!p1 $0x1082;
	[sflag:s4] =	ssyncset.s32 $0xFFFFF086  }
0x25: {  	[simem:s6], [sflag:s4] =	dma.local [hbm:s3], $0xF7A  }
0x26: {  	[smem:$0x3FA0] =	sst s1;
	(tag) =	ssettag s2;
	_ =	strace s9  }
0x27: {  	s1 =	sld [smem:$0x3FB0]  }
0x28: {  	s2 =	sld [smem:$0x3FB1]  }
0x29: {  	s4 =	sld [smem:$0x3FB3]  }
0x2a: {  	p0 =	seq.s32 s5, $0x0;
	s5 =	sld [smem:$0x3FB4]  }
0x2b: {  	s6 =	sld [smem:$0x3FB5]  }
0x2c: {  	s7 =	sld [smem:$0x3FB6]  }
0x2d: {  	s3 =	simm.s32 $0x108;
	s8 =	sld [smem:$0x3FB7]  }
0x2e: {  	s3 =	simm.s32 @!p0 $0x1082;
	s9 =	sld [smem:$0x3FB8]  }
0x2f: {  	lr =	sadd.s32 s0, s3;
	s0 =	sld [smem:$0x3FAF]  }
0x30: {  	s3 =	sld [smem:$0x3FB2]  }
0x31: {  	[smem:$0x3FBB] =	sst s10  }
0x32: {  	s10 =	sld [smem:$0x3FB9];
	_ =	sdelay $0x3  }
0x33: {  	p0 =	seq.s32 s10, $0x1;
	s10 =	sld [smem:$0x3FBB];
	_ =	sdelay $0x3  }
0x34: {  	[smem:$0x3FBB] =	sst s10  }
0x35: {  	s10 =	sld [smem:$0x3FBA];
	_ =	sdelay $0x3  }
0x36: {  	p1 =	seq.s32 s10, $0x1;
	s10 =	sld [smem:$0x3FBB];
	_ =	sdelay $0x3  }
0x37: {  	[smem:$0x3FBB] =	sst s10  }
0x38: {  	s10 =	sld [smem:$0x3FBC]  }
0x39: {  	_ = 	snop;
	(pc) =	sbr.ind lr, $3  }
0x3a: {  	_ = 	snop  }
0x3b: {  	_ = 	snop  }
0x3c: {  	p2 =	seq.s32 s10, $0x1;
	s10 =	sld [smem:$0x3FBB]  }
0x3d: {  	_ =	shalt  }
0x3e: {  	_ =	shalt  }
0x3f: {  	_ =	shalt  }
0x40: {  	_ =	shalt  }
0x41: {  	_ =	shalt  }
0x42: {  	_ =	shalt  }
0x43: {  	_ =	shalt  }
0x44: {  	_ =	shalt  }
0x45: {  	_ =	shalt  }
0x46: {  	_ =	shalt  }
0x47: {  	_ =	shalt  }
0x48: {  	_ =	shalt  }
0x49: {  	_ =	shalt  }
0x4a: {  	_ =	shalt  }
0x4b: {  	_ =	shalt  }
0x4c: {  	_ =	shalt  }
0x4d: {  	_ =	shalt  }
0x4e: {  	_ =	shalt  }
0x4f: {  	_ =	shalt  }
0x50: {  	_ =	shalt  }
0x51: {  	_ =	shalt  }
0x52: {  	_ =	shalt  }
0x53: {  	_ =	shalt  }
0x54: {  	_ =	shalt  }
0x55: {  	_ =	shalt  }
0x56: {  	_ =	shalt  }
0x57: {  	_ =	shalt  }
0x58: {  	_ =	shalt  }
0x59: {  	_ =	shalt  }
0x5a: {  	_ =	shalt  }
0x5b: {  	_ =	shalt  }
0x5c: {  	_ =	shalt  }
0x5d: {  	_ =	shalt  }
0x5e: {  	_ =	shalt  }
0x5f: {  	_ =	shalt  }
0x60: {  	_ =	shalt  }
0x61: {  	_ =	shalt  }
0x62: {  	_ =	shalt  }
0x63: {  	_ =	shalt  }
0x64: {  	_ =	shalt  }
0x65: {  	_ =	shalt  }
0x66: {  	_ =	shalt  }
0x67: {  	_ =	shalt  }
0x68: {  	_ =	shalt  }
0x69: {  	_ =	shalt  }
0x6a: {  	_ =	shalt  }
0x6b: {  	_ =	shalt  }
0x6c: {  	_ =	shalt  }
0x6d: {  	_ =	shalt  }
0x6e: {  	_ =	shalt  }
0x6f: {  	_ =	shalt  }
0x70: {  	_ =	shalt  }
0x71: {  	_ =	shalt  }
0x72: {  	_ =	shalt  }
0x73: {  	_ =	shalt  }
0x74: {  	_ =	shalt  }
0x75: {  	_ =	shalt  }
0x76: {  	_ =	shalt  }
0x77: {  	_ =	shalt  }
0x78: {  	_ =	shalt  }
0x79: {  	_ =	shalt  }
0x7a: {  	_ =	shalt  }
0x7b: {  	_ =	shalt  }
0x7c: {  	_ =	shalt  }
0x7d: {  	_ =	shalt  }
0x7e: {  	_ =	shalt  }
0x7f: {  	_ =	shalt  }
0x80: {  	_ =	shalt  }
0x81: {  	_ =	shalt  }
0x82: {  	_ =	shalt  }
0x83: {  	_ =	shalt  }
0x84: {  	_ =	shalt  }
0x85: {  	_ =	shalt  }
0x86: {  	_ =	shalt  }
0x87: {  	_ =	shalt  }
.Lfunc_end0:
.L_simem_size_0:
called_computation_lowered:
.L_overlay_start_0:
0x88: {  	s2 =	sld [smem:$0x3FD9]  }
0x89: {  	s3 =	sld [smem:$0x3FFE];
	_ =	sdelay $0x1  }
0x8a: {  	s1 =	srdreg.scid  }
0x8b: {  	s0 =	sand.u32 $0x1, s1  }
0x8c: {  	s18 =	sshll.u32 s0, $0xA;
	s2 =	sadd.s32 s3, s2  }
0x8d: {  	s2 =	sadd.s32 s2, s18  }
0x8e: {  	[smem:$0x3FC7] =	sst s2  }
0x8f: {  	_ = 	snop  }
0x90: {  	s2 =	sld [smem:$0x3FC9]  }
0x91: {  	s19 =	sld [smem:$0x3FD0];
	(tm) =	ssettm $0x1  }
0x92: {  	s4 =	sld [smem:$0x3FFB];
	_ =	sdelay $0x3  }
0x93: {  	_ =	strace s4  }
0x94: {  	s4 =	sld [smem:$0x3FFC];
	_ =	sdelay $0x3  }
0x95: {  	_ =	strace s4  }
0x96: {  	s4 =	sld [smem:$0x3FFD];
	_ =	sdelay $0x3  }
0x97: {  	_ =	strace s4  }
0x98: {  	_ =	strace $0x8FFFFFFF  }
0x99: {  	s20 =	sld [smem:$0x3FDB];
	_ =	sdelay $0x1  }
0x9a: {  	s5 =	simm.s32 $_scs_section_size  }
0x9b: {  	s6 =	simm.s32 $_size__tile_overlayer_lowered;
	s7 =	simm.s32 $_tile_overlayer_lowered  }
0x9c: {  	s23 =	simm.s32 $0x1BFF;
	s22 =	sshll.u32 s7, $0x1;
	s4 =	sadd.s32 s5, s20  }
0x9d: {  	s8 =	simm.s32 $0x0;
	s21 =	sshll.u32 s6, $0x1;
	s6 =	sadd.s32 s22, s4  }
0x9e: {  	[timem:s8], [sflag:s23] =	dma.local [hbm:s6], s21  }
0x9f: {  	_ =	swait.ge [sflag:s23], s21  }
0xa0: {  	s5 =	ssub.s32 $0x0, s21;
	[sflag:s23] =	ssyncset.done $0x0  }
0xa1: {  	[sflag:s23] =	ssyncadd.s32 s5;
	_ =	sdelay $0x1  }
0xa2: {  	s24 =	simm.s32 $0x1B8B  }
0xa3: {  	_ =	swait.ge [sflag:s24], $0x1  }
0xa4: {  	[sflag:s24] =	ssyncset.done $0x0  }
0xa5: {  	s25 =	simm.s32 $0x1B8E;
	[sflag:s24] =	ssyncadd.s32 $0xFFFFFFFF  }
0xa6: {  	s26 =	simm.s32 $execute0_lowered;
	[smem:$0x3FD2] =	sst s25  }
0xa7: {  	s5 =	sshll.u32 s26, $0x1;
	_ =	strace $0x80000046;
	[dreg:$0x1] =	wrdreg $0xFFFFFFFF  }
0xa8: {  	s28 =	simm.s32 $_size_execute0_lowered;
	s4 =	sadd.s32 s4, s5;
	[dreg:$0x0] =	wrdreg $0x0  }
0xa9: {  	s5 =	sshll.u32 s28, $0x1;
	[dreg:$0x2] =	wrdreg s4  }
0xaa: {  	[dreg:$0x3] =	wrdreg s5  }
0xab: {  	[dreg:$0x4] =	wrdreg $0xC0  }
0xac: {  	_ =	task [dreg:s8], $0x5FFFF  }
0xad: {  	[dreg:$0x1] =	wrdreg $0xFFFFFFFF  }
0xae: {  	[dreg:$0x0] =	wrdreg $0x60  }
0xaf: {  	[dreg:$0x2] =	wrdreg s2  }
0xb0: {  	[dreg:$0x3] =	wrdreg s19  }
0xb1: {  	[dreg:$0x4] =	wrdreg $0x0  }
0xb2: {  	[dreg:$0x5] =	wrdreg $0x9  }
0xb3: {  	_ =	task.clear_ibuf [dreg:s8], $0x6FFFF;
	_ =	strace $0x90000046  }
0xb4: {  	s29 =	simm.s32 $0x9;
	_ =	strace $0x80000048  }
0xb5: {  	_ =	swait.ge [sflag:s29], $0x1  }
0xb6: {  	[sflag:s29] =	ssyncadd.s32 $0xFFFFFFFF  }
0xb7: {  	_ =	strace $0x90000048  }
0xb8: {  	_ =	sfence  }
0xb9: {  	s30 =	sld [smem:$0x0];
	_ =	sdelay $0x2  }
0xba: {  	s31 =	sshll.u32 s1, $0xD;
	s1 =	sshrl.u32 s1, $0x2  }
0xbb: {  	s3 =	sand.u32 $0x4000, s31;
	s1 =	sadd.s32 s1, s30  }
0xbc: {  	s0 =	sor.u32 s3, s0;
	s1 =	sshll.u32 s1, $0x11  }
0xbd: {  	s0 =	sor.u32 s1, s0  }
0xbe: {  	s0 =	sadd.s32 $0x8F2B, s0  }
0xbf: {  	[sflag:s0] =	ssyncadd.remote.s32 $0x1  }
0xc0: {  	_ =	sfence.sel $0xFFFF  }
0xc1: {  	[dreg:$0x0] =	wrdreg $0xFFFFFFFF;
	(pc) =	sbr.abs _section_cstart, $3  }
0xc2: {  	[dreg:$0x1] =	wrdreg $0xFFFFFFFF  }
0xc3: {  	_ =	task.clear_ibuf [dreg:s8], $0x2FFFF;
	_ =	strace $0x9FFFFFFF  }
0xc4: {  	(tm) =	ssettm $0x7FFFFFFF  }
0xc5: {  	_ =	shalt  }
tec
execute0_lowered:
.L_overlay_start_1:
0x0: {  	(tag) =	ssettag $0x1  }
0x1: {  	s28 =	rddreg [dreg:$0x0]  }
0x2: {  	s29 =	rddreg [dreg:$0x1]  }
0x3: {  	s2 =	rddreg [dreg:$0x2];
	s3 =	srdreg.scid  }
0x4: {  	s0 =	rddreg [dreg:$0x3];
	s1 =	stileid.u32;
	s30 =	sand.u32 $0x1, s3  }
0x5: {  	s4 =	simm.s32 $0x0;
	s17 =	sshll.u32 s1, $0x11;
	s18 =	sshll.u32 s30, $0x10  }
0x6: {  	[smem:$0x7FF] =	sst s4;
	s19 =	smul.u32 $0x60000, s1;
	s31 =	sor.u32 s18, s17  }
0x7: {  	s10 =	sshll.u32 s1, $0x6;
	_ =	strace $0x80000047;
	s4 =	sadd.s32 s28, s31  }
0x8: {  	s5 =	sor.u32 $0x1800, s31;
	s21 =	sadd.s32 s29, s31;
	[dreg:$0x4] =	wrdreg s4  }
0x9: {  	s3 =	sshrl.u32 s19, $0x2;
	s20 =	sadd.s32 s28, s5;
	[dreg:$0x6] =	wrdreg s21  }
0xa: {  	s6 =	sadd.s32 s3, s2;
	s11 =	sor.u32 $0x3000, s31;
	[dreg:$0x5] =	wrdreg s20  }
0xb: {  	s2 =	sor.u32 $0x1C01, s10;
	s22 =	sadd.s32 s29, s5;
	s23 =	rddreg [dreg:$0x4]  }
0xc: {  	s24 =	sadd.s32 s28, s11;
	s3 =	sshrl.u32 s6, $0x3;
	[dreg:$0x7] =	wrdreg s22  }
0xd: {  	s25 =	sadd.s32 $0xC000, s6;
	s5 =	simm.s32 $0x1;
	[dreg:$0x8] =	wrdreg s24  }
0xe: {  	[spmem:s3], [sflag:s2] =	dma.local [hbm:s23], $0x1800  }
0xf: {  	s6 =	sor.u32 $0x1C02, s10;
	s4 =	sshrl.u32 s25, $0x3;
	s7 =	rddreg [dreg:$0x5]  }
0x10: {  	[spmem:s4], [sflag:s6] =	dma.local [hbm:s7], $0x1800  }
0x11: {  	_ =	swait.ge [sflag:s5], $0x1800  }
0x12: {  	s8 =	sor.u32 $0x1C03, s10;
	[sflag:s5] =	ssyncset.done $0x0  }
0x13: {  	s7 =	simm.s32 $0x2;
	s9 =	rddreg [dreg:$0x6];
	[sflag:s5] =	ssyncadd.s32 $0xFFFFE800  }
0x14: {  	[hbm:s9], [sflag:s8] =	dma.local [spmem:s3], $0x1800  }
0x15: {  	_ =	swait.ge [sflag:s7], $0x1800  }
0x16: {  	s10 =	sor.u32 $0x1C04, s10;
	[sflag:s7] =	ssyncset.done $0x0  }
0x17: {  	s9 =	simm.s32 $0x3;
	s12 =	rddreg [dreg:$0x7];
	[sflag:s7] =	ssyncadd.s32 $0xFFFFE800  }
0x18: {  	[hbm:s12], [sflag:s10] =	dma.local [spmem:s4], $0x1800  }
0x19: {  	_ =	swait.ge [sflag:s9], $0x1800  }
0x1a: {  	[sflag:s9] =	ssyncset.done $0x0  }
0x1b: {  	s26 =	rddreg [dreg:$0x8];
	[sflag:s9] =	ssyncadd.s32 $0xFFFFE800  }
0x1c: {  	[spmem:s3], [sflag:s2] =	dma.local [hbm:s26], $0x1800  }
0x1d: {  	_ =	swait.ge [sflag:s5], $0x1800  }
0x1e: {  	[sflag:s5] =	ssyncset.done $0x0  }
0x1f: {  	s11 =	sadd.s32 s29, s11;
	s12 =	simm.s32 $0x4;
	[sflag:s5] =	ssyncadd.s32 $0xFFFFE800  }
0x20: {  	[hbm:s11], [sflag:s8] =	dma.local [spmem:s3], $0x1800  }
0x21: {  	_ =	swait.ge [sflag:s12], $0x1800  }
0x22: {  	s14 =	sor.u32 $0x4800, s31;
	[sflag:s12] =	ssyncset.done $0x0  }
0x23: {  	s13 =	sadd.s32 s28, s14;
	[sflag:s12] =	ssyncadd.s32 $0xFFFFE800  }
0x24: {  	[spmem:s4], [sflag:s6] =	dma.local [hbm:s13], $0x1800  }
0x25: {  	_ =	swait.ge [sflag:s7], $0x1800  }
0x26: {  	[sflag:s7] =	ssyncset.done $0x0  }
0x27: {  	s14 =	sadd.s32 s29, s14;
	[sflag:s7] =	ssyncadd.s32 $0xFFFFE800  }
0x28: {  	[hbm:s14], [sflag:s10] =	dma.local [spmem:s4], $0x1800  }
0x29: {  	_ =	swait.ge [sflag:s9], $0x1800  }
0x2a: {  	s16 =	sor.u32 $0x6000, s31;
	[sflag:s9] =	ssyncset.done $0x0  }
0x2b: {  	s15 =	sadd.s32 s28, s16;
	[sflag:s9] =	ssyncadd.s32 $0xFFFFE800  }
0x2c: {  	[spmem:s3], [sflag:s2] =	dma.local [hbm:s15], $0x1800  }
0x2d: {  	_ =	swait.ge [sflag:s5], $0x1800  }
0x2e: {  	[sflag:s5] =	ssyncset.done $0x0  }
0x2f: {  	s16 =	sadd.s32 s29, s16;
	[sflag:s5] =	ssyncadd.s32 $0xFFFFE800  }
0x30: {  	[hbm:s16], [sflag:s8] =	dma.local [spmem:s3], $0x1800  }
0x31: {  	_ =	swait.ge [sflag:s12], $0x1800  }
0x32: {  	s18 =	sor.u32 $0x7800, s31;
	[sflag:s12] =	ssyncset.done $0x0  }
0x33: {  	s17 =	sadd.s32 s28, s18;
	[sflag:s12] =	ssyncadd.s32 $0xFFFFE800  }
0x34: {  	[spmem:s4], [sflag:s6] =	dma.local [hbm:s17], $0x1800  }
0x35: {  	_ =	swait.ge [sflag:s7], $0x1800  }
0x36: {  	[sflag:s7] =	ssyncset.done $0x0  }
0x37: {  	s18 =	sadd.s32 s29, s18;
	[sflag:s7] =	ssyncadd.s32 $0xFFFFE800  }
0x38: {  	[hbm:s18], [sflag:s10] =	dma.local [spmem:s4], $0x1800  }
0x39: {  	_ =	swait.ge [sflag:s9], $0x1800  }
0x3a: {  	s20 =	sor.u32 $0x9000, s31;
	[sflag:s9] =	ssyncset.done $0x0  }
0x3b: {  	s19 =	sadd.s32 s28, s20;
	[sflag:s9] =	ssyncadd.s32 $0xFFFFE800  }
0x3c: {  	[spmem:s3], [sflag:s2] =	dma.local [hbm:s19], $0x1800  }
0x3d: {  	_ =	swait.ge [sflag:s5], $0x1800  }
0x3e: {  	[sflag:s5] =	ssyncset.done $0x0  }
0x3f: {  	s20 =	sadd.s32 s29, s20;
	[sflag:s5] =	ssyncadd.s32 $0xFFFFE800  }
0x40: {  	[hbm:s20], [sflag:s8] =	dma.local [spmem:s3], $0x1800  }
0x41: {  	_ =	swait.ge [sflag:s12], $0x1800  }
0x42: {  	s22 =	sor.u32 $0xA800, s31;
	[sflag:s12] =	ssyncset.done $0x0  }
0x43: {  	s21 =	sadd.s32 s28, s22;
	[sflag:s12] =	ssyncadd.s32 $0xFFFFE800  }
0x44: {  	[spmem:s4], [sflag:s6] =	dma.local [hbm:s21], $0x1800  }
0x45: {  	_ =	swait.ge [sflag:s7], $0x1800  }
0x46: {  	[sflag:s7] =	ssyncset.done $0x0  }
0x47: {  	s22 =	sadd.s32 s29, s22;
	[sflag:s7] =	ssyncadd.s32 $0xFFFFE800  }
0x48: {  	[hbm:s22], [sflag:s10] =	dma.local [spmem:s4], $0x1800  }
0x49: {  	_ =	swait.ge [sflag:s9], $0x1800  }
0x4a: {  	s24 =	sor.u32 $0xC000, s31;
	[sflag:s9] =	ssyncset.done $0x0  }
0x4b: {  	s23 =	sadd.s32 s28, s24;
	[sflag:s9] =	ssyncadd.s32 $0xFFFFE800  }
0x4c: {  	[spmem:s3], [sflag:s2] =	dma.local [hbm:s23], $0x1800  }
0x4d: {  	_ =	swait.ge [sflag:s5], $0x1800  }
0x4e: {  	[sflag:s5] =	ssyncset.done $0x0  }
0x4f: {  	s24 =	sadd.s32 s29, s24;
	[sflag:s5] =	ssyncadd.s32 $0xFFFFE800  }
0x50: {  	[hbm:s24], [sflag:s8] =	dma.local [spmem:s3], $0x1800  }
0x51: {  	_ =	swait.ge [sflag:s12], $0x1800  }
0x52: {  	s26 =	sor.u32 $0xD800, s31;
	[sflag:s12] =	ssyncset.done $0x0  }
0x53: {  	s25 =	sadd.s32 s28, s26;
	[sflag:s12] =	ssyncadd.s32 $0xFFFFE800  }
0x54: {  	[spmem:s4], [sflag:s6] =	dma.local [hbm:s25], $0x1800  }
0x55: {  	_ =	swait.ge [sflag:s7], $0x1800  }
0x56: {  	[sflag:s7] =	ssyncset.done $0x0  }
0x57: {  	s26 =	sadd.s32 s29, s26;
	[sflag:s7] =	ssyncadd.s32 $0xFFFFE800  }
0x58: {  	[hbm:s26], [sflag:s10] =	dma.local [spmem:s4], $0x1800  }
0x59: {  	s31 =	sor.u32 $0xF000, s31;
	_ =	swait.ge [sflag:s9], $0x1800  }
0x5a: {  	s30 =	ssub.s32 $0x2, s30;
	s28 =	sadd.s32 s28, s31;
	[sflag:s9] =	ssyncset.done $0x0  }
0x5b: {  	s29 =	sadd.s32 s29, s31;
	s31 =	sshrl.u32 s30, $0x1;
	[sflag:s9] =	ssyncadd.s32 $0xFFFFE800  }
0x5c: {  	[spmem:s3], [sflag:s2] =	dma.local [hbm:s28], $0x1000  }
0x5d: {  	s30 =	ssub.s32 s30, s31;
	_ =	swait.ge [sflag:s5], $0x1000  }
0x5e: {  	s30 =	smax.u32 s30, $0x1;
	[sflag:s5] =	ssyncset.done $0x0  }
0x5f: {  	p0 =	sne.s32 s30, $0x1;
	[sflag:s5] =	ssyncadd.s32 $0xFFFFF000  }
0x60: {  	[hbm:s29], [sflag:s8] =	dma.local [spmem:s3], $0x1000  }
.Ltmp0:
0x61: {  	_ =	swait.ge [sflag:s12], $0x1800;
	(pc) =	sbr.rel @!p0 .LBB2_2-.Ltmp0, $4  }
0x62: {  	[sflag:s12] =	ssyncset.done $0x0  }
0x63: {  	[sflag:s12] =	ssyncadd.s32 $0xFFFFE800  }
0x64: {  	_ =	swait.ge [sflag:s9], $0x1000  }
0x65: {  	s30 =	sadd.s32 $0xFFFFFFFF, s30;
	[sflag:s9] =	ssyncset.done $0x0  }
.LBB2_1:
0x66: {  	s31 =	rddreg [dreg:$0x4];
	[sflag:s9] =	ssyncadd.s32 $0xFFFFF000  }
0x67: {  	[spmem:s3], [sflag:s2] =	dma.local [hbm:s31], $0x1800  }
0x68: {  	s31 =	rddreg [dreg:$0x5]  }
0x69: {  	[spmem:s4], [sflag:s6] =	dma.local [hbm:s31], $0x1800  }
0x6a: {  	_ =	swait.ge [sflag:s5], $0x1800  }
0x6b: {  	[sflag:s5] =	ssyncset.done $0x0  }
0x6c: {  	s31 =	rddreg [dreg:$0x6];
	[sflag:s5] =	ssyncadd.s32 $0xFFFFE800  }
0x6d: {  	[hbm:s31], [sflag:s8] =	dma.local [spmem:s3], $0x1800  }
0x6e: {  	_ =	swait.ge [sflag:s7], $0x1800  }
0x6f: {  	[sflag:s7] =	ssyncset.done $0x0  }
0x70: {  	s31 =	rddreg [dreg:$0x7];
	[sflag:s7] =	ssyncadd.s32 $0xFFFFE800  }
0x71: {  	[hbm:s31], [sflag:s10] =	dma.local [spmem:s4], $0x1800  }
0x72: {  	_ =	swait.ge [sflag:s9], $0x1800  }
0x73: {  	[sflag:s9] =	ssyncset.done $0x0  }
0x74: {  	s31 =	rddreg [dreg:$0x8];
	[sflag:s9] =	ssyncadd.s32 $0xFFFFE800  }
0x75: {  	[spmem:s3], [sflag:s2] =	dma.local [hbm:s31], $0x1800  }
0x76: {  	_ =	swait.ge [sflag:s5], $0x1800  }
0x77: {  	[sflag:s5] =	ssyncset.done $0x0  }
0x78: {  	[sflag:s5] =	ssyncadd.s32 $0xFFFFE800  }
0x79: {  	[hbm:s11], [sflag:s8] =	dma.local [spmem:s3], $0x1800  }
0x7a: {  	_ =	swait.ge [sflag:s12], $0x1800  }
0x7b: {  	[sflag:s12] =	ssyncset.done $0x0  }
0x7c: {  	[sflag:s12] =	ssyncadd.s32 $0xFFFFE800  }
0x7d: {  	[spmem:s4], [sflag:s6] =	dma.local [hbm:s13], $0x1800  }
0x7e: {  	_ =	swait.ge [sflag:s7], $0x1800  }
0x7f: {  	[sflag:s7] =	ssyncset.done $0x0  }
0x80: {  	[sflag:s7] =	ssyncadd.s32 $0xFFFFE800  }
0x81: {  	[hbm:s14], [sflag:s10] =	dma.local [spmem:s4], $0x1800  }
0x82: {  	_ =	swait.ge [sflag:s9], $0x1800  }
0x83: {  	[sflag:s9] =	ssyncset.done $0x0  }
0x84: {  	[sflag:s9] =	ssyncadd.s32 $0xFFFFE800  }
0x85: {  	[spmem:s3], [sflag:s2] =	dma.local [hbm:s15], $0x1800  }
0x86: {  	_ =	swait.ge [sflag:s5], $0x1800  }
0x87: {  	[sflag:s5] =	ssyncset.done $0x0  }
0x88: {  	[sflag:s5] =	ssyncadd.s32 $0xFFFFE800  }
0x89: {  	[hbm:s16], [sflag:s8] =	dma.local [spmem:s3], $0x1800  }
0x8a: {  	_ =	swait.ge [sflag:s12], $0x1800  }
0x8b: {  	[sflag:s12] =	ssyncset.done $0x0  }
0x8c: {  	[sflag:s12] =	ssyncadd.s32 $0xFFFFE800  }
0x8d: {  	[spmem:s4], [sflag:s6] =	dma.local [hbm:s17], $0x1800  }
0x8e: {  	_ =	swait.ge [sflag:s7], $0x1800  }
0x8f: {  	[sflag:s7] =	ssyncset.done $0x0  }
0x90: {  	[sflag:s7] =	ssyncadd.s32 $0xFFFFE800  }
0x91: {  	[hbm:s18], [sflag:s10] =	dma.local [spmem:s4], $0x1800  }
0x92: {  	_ =	swait.ge [sflag:s9], $0x1800  }
0x93: {  	[sflag:s9] =	ssyncset.done $0x0  }
0x94: {  	[sflag:s9] =	ssyncadd.s32 $0xFFFFE800  }
0x95: {  	[spmem:s3], [sflag:s2] =	dma.local [hbm:s19], $0x1800  }
0x96: {  	_ =	swait.ge [sflag:s5], $0x1800  }
0x97: {  	[sflag:s5] =	ssyncset.done $0x0  }
0x98: {  	[sflag:s5] =	ssyncadd.s32 $0xFFFFE800  }
0x99: {  	[hbm:s20], [sflag:s8] =	dma.local [spmem:s3], $0x1800  }
0x9a: {  	_ =	swait.ge [sflag:s12], $0x1800  }
0x9b: {  	[sflag:s12] =	ssyncset.done $0x0  }
0x9c: {  	[sflag:s12] =	ssyncadd.s32 $0xFFFFE800  }
0x9d: {  	[spmem:s4], [sflag:s6] =	dma.local [hbm:s21], $0x1800  }
0x9e: {  	_ =	swait.ge [sflag:s7], $0x1800  }
0x9f: {  	[sflag:s7] =	ssyncset.done $0x0  }
0xa0: {  	[sflag:s7] =	ssyncadd.s32 $0xFFFFE800  }
0xa1: {  	[hbm:s22], [sflag:s10] =	dma.local [spmem:s4], $0x1800  }
0xa2: {  	_ =	swait.ge [sflag:s9], $0x1800  }
0xa3: {  	[sflag:s9] =	ssyncset.done $0x0  }
0xa4: {  	[sflag:s9] =	ssyncadd.s32 $0xFFFFE800  }
0xa5: {  	[spmem:s3], [sflag:s2] =	dma.local [hbm:s23], $0x1800  }
0xa6: {  	_ =	swait.ge [sflag:s5], $0x1800  }
0xa7: {  	[sflag:s5] =	ssyncset.done $0x0  }
0xa8: {  	[sflag:s5] =	ssyncadd.s32 $0xFFFFE800  }
0xa9: {  	[hbm:s24], [sflag:s8] =	dma.local [spmem:s3], $0x1800  }
0xaa: {  	_ =	swait.ge [sflag:s12], $0x1800  }
0xab: {  	[sflag:s12] =	ssyncset.done $0x0  }
0xac: {  	[sflag:s12] =	ssyncadd.s32 $0xFFFFE800  }
0xad: {  	[spmem:s4], [sflag:s6] =	dma.local [hbm:s25], $0x1800  }
0xae: {  	_ =	swait.ge [sflag:s7], $0x1800  }
0xaf: {  	[sflag:s7] =	ssyncset.done $0x0  }
0xb0: {  	[sflag:s7] =	ssyncadd.s32 $0xFFFFE800  }
0xb1: {  	[hbm:s26], [sflag:s10] =	dma.local [spmem:s4], $0x1800  }
0xb2: {  	_ =	swait.ge [sflag:s9], $0x1800  }
0xb3: {  	[sflag:s9] =	ssyncset.done $0x0  }
0xb4: {  	[sflag:s9] =	ssyncadd.s32 $0xFFFFE800  }
0xb5: {  	[spmem:s3], [sflag:s2] =	dma.local [hbm:s28], $0x1000  }
0xb6: {  	_ =	swait.ge [sflag:s5], $0x1000  }
0xb7: {  	[sflag:s5] =	ssyncset.done $0x0  }
0xb8: {  	p0 =	sne.s32 s30, $0x1;
	[sflag:s5] =	ssyncadd.s32 $0xFFFFF000  }
0xb9: {  	[hbm:s29], [sflag:s8] =	dma.local [spmem:s3], $0x1000  }
.Ltmp1:
0xba: {  	_ =	swait.ge [sflag:s12], $0x1800;
	(pc) =	sbr.rel @p0 .LBB2_1-.Ltmp1, $4  }
0xbb: {  	[sflag:s12] =	ssyncset.done $0x0  }
0xbc: {  	[sflag:s12] =	ssyncadd.s32 $0xFFFFE800  }
0xbd: {  	_ =	swait.ge [sflag:s9], $0x1000  }
0xbe: {  	s30 =	sadd.s32 $0xFFFFFFFF, s30;
	[sflag:s9] =	ssyncset.done $0x0  }
.LBB2_2:
0xbf: {  	[sflag:s9] =	ssyncadd.s32 $0xFFFFF000  }
0xc0: {  	_ =	sfence.sel $0x180000  }
0xc1: {  	[bflag:$0x0] =	sbarrier.arrive $0xFFFF  }
0xc2: {  	p0 =	sne.s32 s1, $0x0;
	_ =	strace $0x90000047  }
0xc3: {  	s0 =	sadd.s32 @!p0 $0x100000, s0;
	[bflag:$0x2] =	sbarrier.arrive $0xFFFF  }
0xc4: {  	[sflag:s0] =	ssyncadd.tile.s32 @!p0 $0x1;
	_ =	shalt  }
.Lfunc_end2:
_tile_overlayer_lowered:
.L_overlay_start_2:
0xc5: {  	(tag) =	ssettag $0x2  }
0xc6: {  	s0 =	rddreg [dreg:$0x0];
	s2 =	stileid.u32  }
0xc7: {  	s1 =	rddreg [dreg:$0x1];
	p0 =	sne.s32 s2, $0x0  }
0xc8: {  	s3 =	rddreg [dreg:$0x2];
	[bflag:$0x3] =	sbarrier.arrive $0xFFFF;
	s2 =	simm.s32 @!p0 $0x1C05  }
0xc9: {  	[timem:s3], [sflag:s2] =	dma.local @!p0 [hbm:s0], s1  }
0xca: {  	s0 =	simm.s32 @!p0 $0x5  }
0xcb: {  	_ =	swait.ge @!p0 [sflag:s0], s1  }
0xcc: {  	s1 =	ssub.s32 @!p0 $0x0, s1;
	[sflag:s0] =	ssyncset.done @!p0 $0x0  }
0xcd: {  	[sflag:s0] =	ssyncadd.s32 @!p0 s1  }
0xce: {  	[bflag:$0x3] =	sbarrier.arrive $0xFFFF  }
0xcf: {  	_ =	shalt  }

</sc_bundles>
